<compile_context>
chip_gen: v7x
topology: tpu7x:2x2x1
jax: 0.10.2.dev20260603
libtpu: 0.0.44.dev20260713+nightly
codegen_flags: <defaults>
</compile_context>

<pallas_src>
import functools

import jax
import jax.numpy as jnp
from jax import lax
from jax.experimental import pallas as pl
from jax.experimental.pallas import tpu as pltpu
from jax.experimental.pallas import tpu_sc as plsc

N = 4096
TL = 50
BL = 200
D = 64
V = 100000
C = 1000
NW = 32
CH = N // NW


def _zero_acc(acc):
    zero = jnp.zeros((16,), jnp.float32)

    def body(e, _):
        acc[e, pl.ds(0, 16)] = zero
        acc[e, pl.ds(16, 16)] = zero
        acc[e, pl.ds(32, 16)] = zero
        acc[e, pl.ds(48, 16)] = zero
        return 0

    lax.fori_loop(0, CH, body, 0)


def _sc_pool_body(w_hbm, title_hbm, body_hbm, tsum_hbm, bsum_hbm,
                  tidx_u, bidx_u, tidx_v, bidx_v, acc_t, acc_b, sem_t, sem_b):
    wid = lax.axis_index("s") * 2 + lax.axis_index("c")
    base = wid * CH

    pltpu.sync_copy(title_hbm.at[pl.ds(base * TL, CH * TL)], tidx_u)
    pltpu.sync_copy(body_hbm.at[pl.ds(base * BL, CH * BL)], bidx_u)
    _zero_acc(acc_t)
    _zero_acc(acc_b)

    lane = lax.iota(jnp.int32, 16)

    def tpass(k, _):
        for e0 in range(CH // 16):
            flat = (e0 * 16 + lane) * TL + k
            tidx_v[k, pl.ds(e0 * 16, 16)] = plsc.load_gather(tidx_u, [flat])
        pltpu.async_copy(w_hbm.at[tidx_v.at[k]], acc_t, sem_t, add=True)
        return 0

    def bpass(k, _):
        for e0 in range(CH // 16):
            flat = (e0 * 16 + lane) * BL + k
            bidx_v[k, pl.ds(e0 * 16, 16)] = plsc.load_gather(bidx_u, [flat])
        pltpu.async_copy(w_hbm.at[bidx_v.at[k]], acc_b, sem_b, add=True)
        return 0

    lax.fori_loop(0, TL, tpass, 0)
    lax.fori_loop(0, BL, bpass, 0)

    def tdrain(k, _):
        pltpu.make_async_copy(w_hbm.at[tidx_v.at[0]], acc_t, sem_t).wait()
        return 0

    def bdrain(k, _):
        pltpu.make_async_copy(w_hbm.at[bidx_v.at[0]], acc_b, sem_b).wait()
        return 0

    lax.fori_loop(0, TL, tdrain, 0)
    lax.fori_loop(0, BL, bdrain, 0)

    pltpu.sync_copy(acc_t, tsum_hbm.at[pl.ds(base, CH)])
    pltpu.sync_copy(acc_b, bsum_hbm.at[pl.ds(base, CH)])


_sc_pool = functools.partial(
    pl.kernel,
    out_type=(
        jax.ShapeDtypeStruct((N, D), jnp.float32),
        jax.ShapeDtypeStruct((N, D), jnp.float32),
    ),
    mesh=plsc.VectorSubcoreMesh(core_axis_name="c", subcore_axis_name="s"),
    scratch_types=[
        pltpu.VMEM((CH * TL,), jnp.int32),
        pltpu.VMEM((CH * BL,), jnp.int32),
        pltpu.VMEM((TL, CH), jnp.int32),
        pltpu.VMEM((BL, CH), jnp.int32),
        pltpu.VMEM((CH, D), jnp.float32),
        pltpu.VMEM((CH, D), jnp.float32),
        pltpu.SemaphoreType.DMA,
        pltpu.SemaphoreType.DMA,
    ],
    compiler_params=pltpu.CompilerParams(use_tc_tiling_on_sc=False,
                                         needs_layout_passes=False),
)(_sc_pool_body)


def _head_body(tidx_ref, bidx_ref, ts_ref, bs_ref, c_ref, o_ref):
    tcnt = jnp.sum((tidx_ref[...] > 0).astype(jnp.float32), axis=1, keepdims=True)
    bcnt = jnp.sum((bidx_ref[...] > 0).astype(jnp.float32), axis=1, keepdims=True)
    que = 0.3 * ts_ref[...] / tcnt + 0.7 * bs_ref[...] / bcnt
    sc = lax.dot_general(c_ref[...], que, (((1,), (1,)), ((), ())),
                         preferred_element_type=jnp.float32)
    m = jnp.max(sc, axis=0, keepdims=True)
    e = jnp.exp(sc - m)
    o_ref[...] = e / jnp.sum(e, axis=0, keepdims=True)


_R = 1024


def _head(tidx, bidx, tsum, bsum, c_table):
    return pl.pallas_call(
        _head_body,
        out_shape=jax.ShapeDtypeStruct((C, N), jnp.float32),
        grid=(N // _R,),
        in_specs=[
            pl.BlockSpec((_R, TL), lambda i: (i, 0)),
            pl.BlockSpec((_R, BL), lambda i: (i, 0)),
            pl.BlockSpec((_R, D), lambda i: (i, 0)),
            pl.BlockSpec((_R, D), lambda i: (i, 0)),
            pl.BlockSpec((C, D), lambda i: (0, 0)),
        ],
        out_specs=pl.BlockSpec((C, _R), lambda i: (0, i)),
    )(tidx, bidx, tsum, bsum, c_table)


def kernel(title_int, body_int, user_int, w_table, c_table):
    t = title_int.astype(jnp.int32)
    b = body_int.astype(jnp.int32)
    tsum, bsum = _sc_pool(w_table, t.reshape(-1), b.reshape(-1))
    return _head(t, b, tsum, bsum, c_table).T

# --- scband reference (transcript-rebuilt; emitter-appended) ---
"""Pipeline reference for scband-v1-54090818126567 (READ-ONLY COPY).

The authoritative reference and input builder live on the scoring server;
editing this copy changes nothing except your own understanding.
"""

import jax, jax.numpy as jnp
import numpy as np


def setup_inputs(seed: int = 0) -> dict:
    key = jax.random.key(seed)
    k1, k2, k3, k4, k5 = jax.random.split(key, 5)
    title_int = jax.random.randint(k1, (4096, 50), 0, 100000, dtype=jnp.int64 if jax.config.jax_enable_x64 else jnp.int32)
    body_int = jax.random.randint(k2, (4096, 200), 0, 100000, dtype=jnp.int64 if jax.config.jax_enable_x64 else jnp.int32)
    user_int = jax.random.randint(k3, (4096,), 0, 100000, dtype=jnp.int64 if jax.config.jax_enable_x64 else jnp.int32)
    w_table = jax.random.normal(k4, (100000, 64), dtype=jnp.float32)
    # padding_idx=0 semantics: row 0 commonly a pad row; keep value as-is (torch from_pretrained does not zero it)
    c_table = jax.random.normal(k5, (1000, 64), dtype=jnp.float32)
    return {"title_int": title_int, "body_int": body_int, "user_int": user_int, "w_table": w_table, "c_table": c_table}


def _mean_pooling(tensor, mask):
    # Faithful to torch: numerator sums ALL rows (including pad positions), denominator is mask count
    return tensor.sum(axis=1) / mask.sum(axis=1)


def reference(title_int, body_int, user_int, w_table, c_table):
    # get_que_rep
    title_mask = (title_int > 0).astype(jnp.float32)[..., None]
    title_lkup = jnp.take(w_table, title_int, axis=0)
    body_mask = (body_int > 0).astype(jnp.float32)[..., None]
    body_lkup = jnp.take(w_table, body_int, axis=0)
    title_mean = _mean_pooling(title_lkup, title_mask)
    body_mean = _mean_pooling(body_lkup, body_mask)
    que_rep = 0.3 * title_mean + 0.7 * body_mean
    # get_pc_probs
    pc_score = jnp.matmul(que_rep, c_table.T)
    pc_probs = jax.nn.softmax(pc_score, axis=1)
    return pc_probs

if __name__ == "__main__":
    import jax
    _d = setup_inputs()
    print(jax.jit(kernel)(*tuple(_d.values())))

</pallas_src>

<mosaic_0001>
#map = affine_map<(d0, d1) -> (0, 0)>
#map1 = affine_map<(d0, d1) -> (0)>
module attributes {stable_mosaic.version = 14 : i64} {
  func.func @_sc_pool_body(%arg0: i32, %arg1: i32, %arg2: memref<100000x64xf32, #tpu.memory_space<hbm>>, %arg3: memref<204800xi32, #tpu.memory_space<hbm>>, %arg4: memref<819200xi32, #tpu.memory_space<hbm>>, %arg5: memref<4096x64xf32, #tpu.memory_space<hbm>>, %arg6: memref<4096x64xf32, #tpu.memory_space<hbm>>, %arg7: memref<6400xi32, #tpu.memory_space<vmem>>, %arg8: memref<25600xi32, #tpu.memory_space<vmem>>, %arg9: memref<50x128xi32, #tpu.memory_space<vmem>>, %arg10: memref<200x128xi32, #tpu.memory_space<vmem>>, %arg11: memref<128x64xf32, #tpu.memory_space<vmem>>, %arg12: memref<128x64xf32, #tpu.memory_space<vmem>>, %arg13: memref<!tpu.dma_semaphore, #tpu.memory_space<semaphore_mem>>, %arg14: memref<!tpu.dma_semaphore, #tpu.memory_space<semaphore_mem>>) attributes {dimension_semantics = [#tpu.dimension_semantics<core_parallel>, #tpu.dimension_semantics<subcore_parallel>], iteration_bounds = array<i64: 2, 16>, scalar_prefetch = 0 : i64, scratch_operands = 8 : i64, tpu.core_type = #tpu.core_type<sc_vector_subcore>, window_params = [{transform_indices = #map}, {transform_indices = #map1}, {transform_indices = #map1}, {transform_indices = #map}, {transform_indices = #map}]} {
    %mul3A = arith.constant 2 : i32
    %mul3A_0 = arith.muli %arg1, %mul3A : i32
    %add3A = arith.addi %mul3A_0, %arg0 : i32
    %mul3A_1 = arith.constant 128 : i32
    %mul3A_2 = arith.muli %add3A, %mul3A_1 : i32
    %mul3A_3 = arith.constant 50 : i32
    %mul3A_4 = arith.muli %mul3A_2, %mul3A_3 : i32
    "tpu.region"() ({
      %run_scoped3A = tpu.sem_alloc : memref<!tpu.dma_semaphore, #tpu.memory_space<semaphore_mem>>
      %dma_start3A = tpu.memref_slice %arg3[%mul3A_4] : memref<204800xi32, #tpu.memory_space<hbm>> -> memref<6400xi32, #tpu.memory_space<hbm>>
      %dma_start3A_51 = tpu.memref_slice %arg3[%mul3A_4] : memref<204800xi32, #tpu.memory_space<hbm>> -> memref<6400xi32, #tpu.memory_space<hbm>>
      tpu.enqueue_dma source(%dma_start3A_51 : memref<6400xi32, #tpu.memory_space<hbm>>) target(%arg7 : memref<6400xi32, #tpu.memory_space<vmem>>) target_semaphore(%run_scoped3A : memref<!tpu.dma_semaphore, #tpu.memory_space<semaphore_mem>>)
      %dma_wait3A = tpu.memref_slice %arg3[%mul3A_4] : memref<204800xi32, #tpu.memory_space<hbm>> -> memref<6400xi32, #tpu.memory_space<hbm>>
      %dma_wait3A_52 = tpu.memref_slice %arg3[%mul3A_4] : memref<204800xi32, #tpu.memory_space<hbm>> -> memref<6400xi32, #tpu.memory_space<hbm>>
      tpu.wait_dma2 semaphore(%run_scoped3A : memref<!tpu.dma_semaphore, #tpu.memory_space<semaphore_mem>>) src(%dma_wait3A_52 : memref<6400xi32, #tpu.memory_space<hbm>>) dst(%arg7 : memref<6400xi32, #tpu.memory_space<vmem>>)
      tpu.yield
    }) : () -> ()
    %mul3A_5 = arith.constant 200 : i32
    %mul3A_6 = arith.muli %mul3A_2, %mul3A_5 : i32
    "tpu.region"() ({
      %run_scoped3A = tpu.sem_alloc : memref<!tpu.dma_semaphore, #tpu.memory_space<semaphore_mem>>
      %dma_start3A = tpu.memref_slice %arg4[%mul3A_6] : memref<819200xi32, #tpu.memory_space<hbm>> -> memref<25600xi32, #tpu.memory_space<hbm>>
      %dma_start3A_51 = tpu.memref_slice %arg4[%mul3A_6] : memref<819200xi32, #tpu.memory_space<hbm>> -> memref<25600xi32, #tpu.memory_space<hbm>>
      tpu.enqueue_dma source(%dma_start3A_51 : memref<25600xi32, #tpu.memory_space<hbm>>) target(%arg8 : memref<25600xi32, #tpu.memory_space<vmem>>) target_semaphore(%run_scoped3A : memref<!tpu.dma_semaphore, #tpu.memory_space<semaphore_mem>>)
      %dma_wait3A = tpu.memref_slice %arg4[%mul3A_6] : memref<819200xi32, #tpu.memory_space<hbm>> -> memref<25600xi32, #tpu.memory_space<hbm>>
      %dma_wait3A_52 = tpu.memref_slice %arg4[%mul3A_6] : memref<819200xi32, #tpu.memory_space<hbm>> -> memref<25600xi32, #tpu.memory_space<hbm>>
      tpu.wait_dma2 semaphore(%run_scoped3A : memref<!tpu.dma_semaphore, #tpu.memory_space<semaphore_mem>>) src(%dma_wait3A_52 : memref<25600xi32, #tpu.memory_space<hbm>>) dst(%arg8 : memref<25600xi32, #tpu.memory_space<vmem>>)
      tpu.yield
    }) : () -> ()
    %broadcast_in_dim3A = arith.constant 0.000000e+00 : f32
    %broadcast_in_dim3A_7 = vector.broadcast %broadcast_in_dim3A : f32 to vector<16xf32>
    %scan3A = arith.constant 0 : i32
    %scan3A_8 = arith.constant 0 : i32
    %scan3A_9 = arith.constant 128 : i32
    %scan3A_10 = arith.addi %scan3A_8, %scan3A_9 : i32
    %scan3A_11 = arith.constant 1 : i32
    %scan3A_12 = scf.for %scan3A_51 = %scan3A_8 to %scan3A_10 step %scan3A_11 iter_args(%scan3A_52 = %scan3A) -> (i32)  : i32 {
      %swap3A = arith.index_cast %scan3A_51 : i32 to index
      %swap3A_53 = arith.constant 0 : index
      %swap3A_54 = tpu.vector_load %arg11[%swap3A, %swap3A_53] {strides = array<i32>} : memref<128x64xf32, #tpu.memory_space<vmem>>, vector<16xf32>,
      tpu.vector_store %arg11[%swap3A, %swap3A_53], %broadcast_in_dim3A_7 {strides = array<i32>} : memref<128x64xf32, #tpu.memory_space<vmem>>, vector<16xf32>,
      %swap3A_55 = arith.index_cast %scan3A_51 : i32 to index
      %swap3A_56 = arith.constant 16 : index
      %swap3A_57 = tpu.vector_load %arg11[%swap3A_55, %swap3A_56] {strides = array<i32>} : memref<128x64xf32, #tpu.memory_space<vmem>>, vector<16xf32>,
      tpu.vector_store %arg11[%swap3A_55, %swap3A_56], %broadcast_in_dim3A_7 {strides = array<i32>} : memref<128x64xf32, #tpu.memory_space<vmem>>, vector<16xf32>,
      %swap3A_58 = arith.index_cast %scan3A_51 : i32 to index
      %swap3A_59 = arith.constant 32 : index
      %swap3A_60 = tpu.vector_load %arg11[%swap3A_58, %swap3A_59] {strides = array<i32>} : memref<128x64xf32, #tpu.memory_space<vmem>>, vector<16xf32>,
      tpu.vector_store %arg11[%swap3A_58, %swap3A_59], %broadcast_in_dim3A_7 {strides = array<i32>} : memref<128x64xf32, #tpu.memory_space<vmem>>, vector<16xf32>,
      %swap3A_61 = arith.index_cast %scan3A_51 : i32 to index
      %swap3A_62 = arith.constant 48 : index
      %swap3A_63 = tpu.vector_load %arg11[%swap3A_61, %swap3A_62] {strides = array<i32>} : memref<128x64xf32, #tpu.memory_space<vmem>>, vector<16xf32>,
      tpu.vector_store %arg11[%swap3A_61, %swap3A_62], %broadcast_in_dim3A_7 {strides = array<i32>} : memref<128x64xf32, #tpu.memory_space<vmem>>, vector<16xf32>,
      %scan3A_64 = arith.constant 0 : i32
      scf.yield %scan3A_64 : i32
    }
    %scan3A_13 = arith.constant 128 : i32
    %broadcast_in_dim3A_14 = arith.constant 0.000000e+00 : f32
    %broadcast_in_dim3A_15 = vector.broadcast %broadcast_in_dim3A_14 : f32 to vector<16xf32>
    %scan3A_16 = arith.constant 0 : i32
    %scan3A_17 = arith.constant 0 : i32
    %scan3A_18 = arith.constant 128 : i32
    %scan3A_19 = arith.addi %scan3A_17, %scan3A_18 : i32
    %scan3A_20 = arith.constant 1 : i32
    %scan3A_21 = scf.for %scan3A_51 = %scan3A_17 to %scan3A_19 step %scan3A_20 iter_args(%scan3A_52 = %scan3A_16) -> (i32)  : i32 {
      %swap3A = arith.index_cast %scan3A_51 : i32 to index
      %swap3A_53 = arith.constant 0 : index
      %swap3A_54 = tpu.vector_load %arg12[%swap3A, %swap3A_53] {strides = array<i32>} : memref<128x64xf32, #tpu.memory_space<vmem>>, vector<16xf32>,
      tpu.vector_store %arg12[%swap3A, %swap3A_53], %broadcast_in_dim3A_15 {strides = array<i32>} : memref<128x64xf32, #tpu.memory_space<vmem>>, vector<16xf32>,
      %swap3A_55 = arith.index_cast %scan3A_51 : i32 to index
      %swap3A_56 = arith.constant 16 : index
      %swap3A_57 = tpu.vector_load %arg12[%swap3A_55, %swap3A_56] {strides = array<i32>} : memref<128x64xf32, #tpu.memory_space<vmem>>, vector<16xf32>,
      tpu.vector_store %arg12[%swap3A_55, %swap3A_56], %broadcast_in_dim3A_15 {strides = array<i32>} : memref<128x64xf32, #tpu.memory_space<vmem>>, vector<16xf32>,
      %swap3A_58 = arith.index_cast %scan3A_51 : i32 to index
      %swap3A_59 = arith.constant 32 : index
      %swap3A_60 = tpu.vector_load %arg12[%swap3A_58, %swap3A_59] {strides = array<i32>} : memref<128x64xf32, #tpu.memory_space<vmem>>, vector<16xf32>,
      tpu.vector_store %arg12[%swap3A_58, %swap3A_59], %broadcast_in_dim3A_15 {strides = array<i32>} : memref<128x64xf32, #tpu.memory_space<vmem>>, vector<16xf32>,
      %swap3A_61 = arith.index_cast %scan3A_51 : i32 to index
      %swap3A_62 = arith.constant 48 : index
      %swap3A_63 = tpu.vector_load %arg12[%swap3A_61, %swap3A_62] {strides = array<i32>} : memref<128x64xf32, #tpu.memory_space<vmem>>, vector<16xf32>,
      tpu.vector_store %arg12[%swap3A_61, %swap3A_62], %broadcast_in_dim3A_15 {strides = array<i32>} : memref<128x64xf32, #tpu.memory_space<vmem>>, vector<16xf32>,
      %scan3A_64 = arith.constant 0 : i32
      scf.yield %scan3A_64 : i32
    }
    %scan3A_22 = arith.constant 128 : i32
    %iota3A = tpu.iota {dimensions = array<i32: 0>} : vector<16xi32>
    %scan3A_23 = arith.constant 0 : i32
    %scan3A_24 = arith.constant 0 : i32
    %scan3A_25 = arith.constant 50 : i32
    %scan3A_26 = arith.addi %scan3A_24, %scan3A_25 : i32
    %scan3A_27 = arith.constant 1 : i32
    %scan3A_28 = scf.for %scan3A_51 = %scan3A_24 to %scan3A_26 step %scan3A_27 iter_args(%scan3A_52 = %scan3A_23) -> (i32)  : i32 {
      %add3A_53 = arith.constant 0 : i32
      %add3A_54 = vector.broadcast %add3A_53 : i32 to vector<16xi32>
      %add3A_55 = arith.addi %add3A_54, %iota3A : vector<16xi32>
      %mul3A_56 = arith.constant 50 : i32
      %mul3A_57 = vector.broadcast %mul3A_56 : i32 to vector<16xi32>
      %mul3A_58 = arith.muli %add3A_55, %mul3A_57 : vector<16xi32>
      %add3A_59 = vector.broadcast %scan3A_51 : i32 to vector<16xi32>
      %add3A_60 = arith.addi %mul3A_58, %add3A_59 : vector<16xi32>
      %gather3A = tpu.vector_load_idx %arg7[%add3A_60] : memref<6400xi32, #tpu.memory_space<vmem>>[vector<16xi32>], vector<16xi32>,
      %swap3A = arith.index_cast %scan3A_51 : i32 to index
      %swap3A_61 = arith.constant 0 : index
      %swap3A_62 = tpu.vector_load %arg9[%swap3A, %swap3A_61] {strides = array<i32>} : memref<50x128xi32, #tpu.memory_space<vmem>>, vector<16xi32>,
      tpu.vector_store %arg9[%swap3A, %swap3A_61], %gather3A {strides = array<i32>} : memref<50x128xi32, #tpu.memory_space<vmem>>, vector<16xi32>,
      %add3A_63 = arith.constant 16 : i32
      %add3A_64 = vector.broadcast %add3A_63 : i32 to vector<16xi32>
      %add3A_65 = arith.addi %add3A_64, %iota3A : vector<16xi32>
      %mul3A_66 = arith.constant 50 : i32
      %mul3A_67 = vector.broadcast %mul3A_66 : i32 to vector<16xi32>
      %mul3A_68 = arith.muli %add3A_65, %mul3A_67 : vector<16xi32>
      %add3A_69 = vector.broadcast %scan3A_51 : i32 to vector<16xi32>
      %add3A_70 = arith.addi %mul3A_68, %add3A_69 : vector<16xi32>
      %gather3A_71 = tpu.vector_load_idx %arg7[%add3A_70] : memref<6400xi32, #tpu.memory_space<vmem>>[vector<16xi32>], vector<16xi32>,
      %swap3A_72 = arith.index_cast %scan3A_51 : i32 to index
      %swap3A_73 = arith.constant 16 : index
      %swap3A_74 = tpu.vector_load %arg9[%swap3A_72, %swap3A_73] {strides = array<i32>} : memref<50x128xi32, #tpu.memory_space<vmem>>, vector<16xi32>,
      tpu.vector_store %arg9[%swap3A_72, %swap3A_73], %gather3A_71 {strides = array<i32>} : memref<50x128xi32, #tpu.memory_space<vmem>>, vector<16xi32>,
      %add3A_75 = arith.constant 32 : i32
      %add3A_76 = vector.broadcast %add3A_75 : i32 to vector<16xi32>
      %add3A_77 = arith.addi %add3A_76, %iota3A : vector<16xi32>
      %mul3A_78 = arith.constant 50 : i32
      %mul3A_79 = vector.broadcast %mul3A_78 : i32 to vector<16xi32>
      %mul3A_80 = arith.muli %add3A_77, %mul3A_79 : vector<16xi32>
      %add3A_81 = vector.broadcast %scan3A_51 : i32 to vector<16xi32>
      %add3A_82 = arith.addi %mul3A_80, %add3A_81 : vector<16xi32>
      %gather3A_83 = tpu.vector_load_idx %arg7[%add3A_82] : memref<6400xi32, #tpu.memory_space<vmem>>[vector<16xi32>], vector<16xi32>,
      %swap3A_84 = arith.index_cast %scan3A_51 : i32 to index
      %swap3A_85 = arith.constant 32 : index
      %swap3A_86 = tpu.vector_load %arg9[%swap3A_84, %swap3A_85] {strides = array<i32>} : memref<50x128xi32, #tpu.memory_space<vmem>>, vector<16xi32>,
      tpu.vector_store %arg9[%swap3A_84, %swap3A_85], %gather3A_83 {strides = array<i32>} : memref<50x128xi32, #tpu.memory_space<vmem>>, vector<16xi32>,
      %add3A_87 = arith.constant 48 : i32
      %add3A_88 = vector.broadcast %add3A_87 : i32 to vector<16xi32>
      %add3A_89 = arith.addi %add3A_88, %iota3A : vector<16xi32>
      %mul3A_90 = arith.constant 50 : i32
      %mul3A_91 = vector.broadcast %mul3A_90 : i32 to vector<16xi32>
      %mul3A_92 = arith.muli %add3A_89, %mul3A_91 : vector<16xi32>
      %add3A_93 = vector.broadcast %scan3A_51 : i32 to vector<16xi32>
      %add3A_94 = arith.addi %mul3A_92, %add3A_93 : vector<16xi32>
      %gather3A_95 = tpu.vector_load_idx %arg7[%add3A_94] : memref<6400xi32, #tpu.memory_space<vmem>>[vector<16xi32>], vector<16xi32>,
      %swap3A_96 = arith.index_cast %scan3A_51 : i32 to index
      %swap3A_97 = arith.constant 48 : index
      %swap3A_98 = tpu.vector_load %arg9[%swap3A_96, %swap3A_97] {strides = array<i32>} : memref<50x128xi32, #tpu.memory_space<vmem>>, vector<16xi32>,
      tpu.vector_store %arg9[%swap3A_96, %swap3A_97], %gather3A_95 {strides = array<i32>} : memref<50x128xi32, #tpu.memory_space<vmem>>, vector<16xi32>,
      %add3A_99 = arith.constant 64 : i32
      %add3A_100 = vector.broadcast %add3A_99 : i32 to vector<16xi32>
      %add3A_101 = arith.addi %add3A_100, %iota3A : vector<16xi32>
      %mul3A_102 = arith.constant 50 : i32
      %mul3A_103 = vector.broadcast %mul3A_102 : i32 to vector<16xi32>
      %mul3A_104 = arith.muli %add3A_101, %mul3A_103 : vector<16xi32>
      %add3A_105 = vector.broadcast %scan3A_51 : i32 to vector<16xi32>
      %add3A_106 = arith.addi %mul3A_104, %add3A_105 : vector<16xi32>
      %gather3A_107 = tpu.vector_load_idx %arg7[%add3A_106] : memref<6400xi32, #tpu.memory_space<vmem>>[vector<16xi32>], vector<16xi32>,
      %swap3A_108 = arith.index_cast %scan3A_51 : i32 to index
      %swap3A_109 = arith.constant 64 : index
      %swap3A_110 = tpu.vector_load %arg9[%swap3A_108, %swap3A_109] {strides = array<i32>} : memref<50x128xi32, #tpu.memory_space<vmem>>, vector<16xi32>,
      tpu.vector_store %arg9[%swap3A_108, %swap3A_109], %gather3A_107 {strides = array<i32>} : memref<50x128xi32, #tpu.memory_space<vmem>>, vector<16xi32>,
      %add3A_111 = arith.constant 80 : i32
      %add3A_112 = vector.broadcast %add3A_111 : i32 to vector<16xi32>
      %add3A_113 = arith.addi %add3A_112, %iota3A : vector<16xi32>
      %mul3A_114 = arith.constant 50 : i32
      %mul3A_115 = vector.broadcast %mul3A_114 : i32 to vector<16xi32>
      %mul3A_116 = arith.muli %add3A_113, %mul3A_115 : vector<16xi32>
      %add3A_117 = vector.broadcast %scan3A_51 : i32 to vector<16xi32>
      %add3A_118 = arith.addi %mul3A_116, %add3A_117 : vector<16xi32>
      %gather3A_119 = tpu.vector_load_idx %arg7[%add3A_118] : memref<6400xi32, #tpu.memory_space<vmem>>[vector<16xi32>], vector<16xi32>,
      %swap3A_120 = arith.index_cast %scan3A_51 : i32 to index
      %swap3A_121 = arith.constant 80 : index
      %swap3A_122 = tpu.vector_load %arg9[%swap3A_120, %swap3A_121] {strides = array<i32>} : memref<50x128xi32, #tpu.memory_space<vmem>>, vector<16xi32>,
      tpu.vector_store %arg9[%swap3A_120, %swap3A_121], %gather3A_119 {strides = array<i32>} : memref<50x128xi32, #tpu.memory_space<vmem>>, vector<16xi32>,
      %add3A_123 = arith.constant 96 : i32
      %add3A_124 = vector.broadcast %add3A_123 : i32 to vector<16xi32>
      %add3A_125 = arith.addi %add3A_124, %iota3A : vector<16xi32>
      %mul3A_126 = arith.constant 50 : i32
      %mul3A_127 = vector.broadcast %mul3A_126 : i32 to vector<16xi32>
      %mul3A_128 = arith.muli %add3A_125, %mul3A_127 : vector<16xi32>
      %add3A_129 = vector.broadcast %scan3A_51 : i32 to vector<16xi32>
      %add3A_130 = arith.addi %mul3A_128, %add3A_129 : vector<16xi32>
      %gather3A_131 = tpu.vector_load_idx %arg7[%add3A_130] : memref<6400xi32, #tpu.memory_space<vmem>>[vector<16xi32>], vector<16xi32>,
      %swap3A_132 = arith.index_cast %scan3A_51 : i32 to index
      %swap3A_133 = arith.constant 96 : index
      %swap3A_134 = tpu.vector_load %arg9[%swap3A_132, %swap3A_133] {strides = array<i32>} : memref<50x128xi32, #tpu.memory_space<vmem>>, vector<16xi32>,
      tpu.vector_store %arg9[%swap3A_132, %swap3A_133], %gather3A_131 {strides = array<i32>} : memref<50x128xi32, #tpu.memory_space<vmem>>, vector<16xi32>,
      %add3A_135 = arith.constant 112 : i32
      %add3A_136 = vector.broadcast %add3A_135 : i32 to vector<16xi32>
      %add3A_137 = arith.addi %add3A_136, %iota3A : vector<16xi32>
      %mul3A_138 = arith.constant 50 : i32
      %mul3A_139 = vector.broadcast %mul3A_138 : i32 to vector<16xi32>
      %mul3A_140 = arith.muli %add3A_137, %mul3A_139 : vector<16xi32>
      %add3A_141 = vector.broadcast %scan3A_51 : i32 to vector<16xi32>
      %add3A_142 = arith.addi %mul3A_140, %add3A_141 : vector<16xi32>
      %gather3A_143 = tpu.vector_load_idx %arg7[%add3A_142] : memref<6400xi32, #tpu.memory_space<vmem>>[vector<16xi32>], vector<16xi32>,
      %swap3A_144 = arith.index_cast %scan3A_51 : i32 to index
      %swap3A_145 = arith.constant 112 : index
      %swap3A_146 = tpu.vector_load %arg9[%swap3A_144, %swap3A_145] {strides = array<i32>} : memref<50x128xi32, #tpu.memory_space<vmem>>, vector<16xi32>,
      tpu.vector_store %arg9[%swap3A_144, %swap3A_145], %gather3A_143 {strides = array<i32>} : memref<50x128xi32, #tpu.memory_space<vmem>>, vector<16xi32>,
      %dma_start3A = arith.constant 0 : i32
      %dma_start3A_147 = tpu.memref_slice %arg9[%scan3A_51, %dma_start3A] : memref<50x128xi32, #tpu.memory_space<vmem>> -> memref<1x128xi32, #tpu.memory_space<vmem>>
      %dma_start3A_148 = tpu.memref_squeeze %dma_start3A_147 : memref<1x128xi32, #tpu.memory_space<vmem>> -> memref<128xi32, #tpu.memory_space<vmem>>
      %dma_start3A_149 = arith.constant 0 : i32
      %dma_start3A_150 = arith.constant 0 : i32
      %dma_start3A_151 = tpu.memref_slice %arg2[%dma_start3A_149, %dma_start3A_150] : memref<100000x64xf32, #tpu.memory_space<hbm>> -> memref<100000x64xf32, #tpu.memory_space<hbm>>
      tpu.enqueue_indirect_dma source(%dma_start3A_151 : memref<100000x64xf32, #tpu.memory_space<hbm>>) target(%arg11 : memref<128x64xf32, #tpu.memory_space<vmem>>) offsets(%dma_start3A_148 : memref<128xi32, #tpu.memory_space<vmem>>) semaphore(%arg13 : memref<!tpu.dma_semaphore, #tpu.memory_space<semaphore_mem>>) {add = true}
      %scan3A_152 = arith.constant 0 : i32
      scf.yield %scan3A_152 : i32
    }
    %scan3A_29 = arith.constant 50 : i32
    %scan3A_30 = arith.constant 0 : i32
    %scan3A_31 = arith.constant 0 : i32
    %scan3A_32 = arith.constant 200 : i32
    %scan3A_33 = arith.addi %scan3A_31, %scan3A_32 : i32
    %scan3A_34 = arith.constant 1 : i32
    %scan3A_35 = scf.for %scan3A_51 = %scan3A_31 to %scan3A_33 step %scan3A_34 iter_args(%scan3A_52 = %scan3A_30) -> (i32)  : i32 {
      %add3A_53 = arith.constant 0 : i32
      %add3A_54 = vector.broadcast %add3A_53 : i32 to vector<16xi32>
      %add3A_55 = arith.addi %add3A_54, %iota3A : vector<16xi32>
      %mul3A_56 = arith.constant 200 : i32
      %mul3A_57 = vector.broadcast %mul3A_56 : i32 to vector<16xi32>
      %mul3A_58 = arith.muli %add3A_55, %mul3A_57 : vector<16xi32>
      %add3A_59 = vector.broadcast %scan3A_51 : i32 to vector<16xi32>
      %add3A_60 = arith.addi %mul3A_58, %add3A_59 : vector<16xi32>
      %gather3A = tpu.vector_load_idx %arg8[%add3A_60] : memref<25600xi32, #tpu.memory_space<vmem>>[vector<16xi32>], vector<16xi32>,
      %swap3A = arith.index_cast %scan3A_51 : i32 to index
      %swap3A_61 = arith.constant 0 : index
      %swap3A_62 = tpu.vector_load %arg10[%swap3A, %swap3A_61] {strides = array<i32>} : memref<200x128xi32, #tpu.memory_space<vmem>>, vector<16xi32>,
      tpu.vector_store %arg10[%swap3A, %swap3A_61], %gather3A {strides = array<i32>} : memref<200x128xi32, #tpu.memory_space<vmem>>, vector<16xi32>,
      %add3A_63 = arith.constant 16 : i32
      %add3A_64 = vector.broadcast %add3A_63 : i32 to vector<16xi32>
      %add3A_65 = arith.addi %add3A_64, %iota3A : vector<16xi32>
      %mul3A_66 = arith.constant 200 : i32
      %mul3A_67 = vector.broadcast %mul3A_66 : i32 to vector<16xi32>
      %mul3A_68 = arith.muli %add3A_65, %mul3A_67 : vector<16xi32>
      %add3A_69 = vector.broadcast %scan3A_51 : i32 to vector<16xi32>
      %add3A_70 = arith.addi %mul3A_68, %add3A_69 : vector<16xi32>
      %gather3A_71 = tpu.vector_load_idx %arg8[%add3A_70] : memref<25600xi32, #tpu.memory_space<vmem>>[vector<16xi32>], vector<16xi32>,
      %swap3A_72 = arith.index_cast %scan3A_51 : i32 to index
      %swap3A_73 = arith.constant 16 : index
      %swap3A_74 = tpu.vector_load %arg10[%swap3A_72, %swap3A_73] {strides = array<i32>} : memref<200x128xi32, #tpu.memory_space<vmem>>, vector<16xi32>,
      tpu.vector_store %arg10[%swap3A_72, %swap3A_73], %gather3A_71 {strides = array<i32>} : memref<200x128xi32, #tpu.memory_space<vmem>>, vector<16xi32>,
      %add3A_75 = arith.constant 32 : i32
      %add3A_76 = vector.broadcast %add3A_75 : i32 to vector<16xi32>
      %add3A_77 = arith.addi %add3A_76, %iota3A : vector<16xi32>
      %mul3A_78 = arith.constant 200 : i32
      %mul3A_79 = vector.broadcast %mul3A_78 : i32 to vector<16xi32>
      %mul3A_80 = arith.muli %add3A_77, %mul3A_79 : vector<16xi32>
      %add3A_81 = vector.broadcast %scan3A_51 : i32 to vector<16xi32>
      %add3A_82 = arith.addi %mul3A_80, %add3A_81 : vector<16xi32>
      %gather3A_83 = tpu.vector_load_idx %arg8[%add3A_82] : memref<25600xi32, #tpu.memory_space<vmem>>[vector<16xi32>], vector<16xi32>,
      %swap3A_84 = arith.index_cast %scan3A_51 : i32 to index
      %swap3A_85 = arith.constant 32 : index
      %swap3A_86 = tpu.vector_load %arg10[%swap3A_84, %swap3A_85] {strides = array<i32>} : memref<200x128xi32, #tpu.memory_space<vmem>>, vector<16xi32>,
      tpu.vector_store %arg10[%swap3A_84, %swap3A_85], %gather3A_83 {strides = array<i32>} : memref<200x128xi32, #tpu.memory_space<vmem>>, vector<16xi32>,
      %add3A_87 = arith.constant 48 : i32
      %add3A_88 = vector.broadcast %add3A_87 : i32 to vector<16xi32>
      %add3A_89 = arith.addi %add3A_88, %iota3A : vector<16xi32>
      %mul3A_90 = arith.constant 200 : i32
      %mul3A_91 = vector.broadcast %mul3A_90 : i32 to vector<16xi32>
      %mul3A_92 = arith.muli %add3A_89, %mul3A_91 : vector<16xi32>
      %add3A_93 = vector.broadcast %scan3A_51 : i32 to vector<16xi32>
      %add3A_94 = arith.addi %mul3A_92, %add3A_93 : vector<16xi32>
      %gather3A_95 = tpu.vector_load_idx %arg8[%add3A_94] : memref<25600xi32, #tpu.memory_space<vmem>>[vector<16xi32>], vector<16xi32>,
      %swap3A_96 = arith.index_cast %scan3A_51 : i32 to index
      %swap3A_97 = arith.constant 48 : index
      %swap3A_98 = tpu.vector_load %arg10[%swap3A_96, %swap3A_97] {strides = array<i32>} : memref<200x128xi32, #tpu.memory_space<vmem>>, vector<16xi32>,
      tpu.vector_store %arg10[%swap3A_96, %swap3A_97], %gather3A_95 {strides = array<i32>} : memref<200x128xi32, #tpu.memory_space<vmem>>, vector<16xi32>,
      %add3A_99 = arith.constant 64 : i32
      %add3A_100 = vector.broadcast %add3A_99 : i32 to vector<16xi32>
      %add3A_101 = arith.addi %add3A_100, %iota3A : vector<16xi32>
      %mul3A_102 = arith.constant 200 : i32
      %mul3A_103 = vector.broadcast %mul3A_102 : i32 to vector<16xi32>
      %mul3A_104 = arith.muli %add3A_101, %mul3A_103 : vector<16xi32>
      %add3A_105 = vector.broadcast %scan3A_51 : i32 to vector<16xi32>
      %add3A_106 = arith.addi %mul3A_104, %add3A_105 : vector<16xi32>
      %gather3A_107 = tpu.vector_load_idx %arg8[%add3A_106] : memref<25600xi32, #tpu.memory_space<vmem>>[vector<16xi32>], vector<16xi32>,
      %swap3A_108 = arith.index_cast %scan3A_51 : i32 to index
      %swap3A_109 = arith.constant 64 : index
      %swap3A_110 = tpu.vector_load %arg10[%swap3A_108, %swap3A_109] {strides = array<i32>} : memref<200x128xi32, #tpu.memory_space<vmem>>, vector<16xi32>,
      tpu.vector_store %arg10[%swap3A_108, %swap3A_109], %gather3A_107 {strides = array<i32>} : memref<200x128xi32, #tpu.memory_space<vmem>>, vector<16xi32>,
      %add3A_111 = arith.constant 80 : i32
      %add3A_112 = vector.broadcast %add3A_111 : i32 to vector<16xi32>
      %add3A_113 = arith.addi %add3A_112, %iota3A : vector<16xi32>
      %mul3A_114 = arith.constant 200 : i32
      %mul3A_115 = vector.broadcast %mul3A_114 : i32 to vector<16xi32>
      %mul3A_116 = arith.muli %add3A_113, %mul3A_115 : vector<16xi32>
      %add3A_117 = vector.broadcast %scan3A_51 : i32 to vector<16xi32>
      %add3A_118 = arith.addi %mul3A_116, %add3A_117 : vector<16xi32>
      %gather3A_119 = tpu.vector_load_idx %arg8[%add3A_118] : memref<25600xi32, #tpu.memory_space<vmem>>[vector<16xi32>], vector<16xi32>,
      %swap3A_120 = arith.index_cast %scan3A_51 : i32 to index
      %swap3A_121 = arith.constant 80 : index
      %swap3A_122 = tpu.vector_load %arg10[%swap3A_120, %swap3A_121] {strides = array<i32>} : memref<200x128xi32, #tpu.memory_space<vmem>>, vector<16xi32>,
      tpu.vector_store %arg10[%swap3A_120, %swap3A_121], %gather3A_119 {strides = array<i32>} : memref<200x128xi32, #tpu.memory_space<vmem>>, vector<16xi32>,
      %add3A_123 = arith.constant 96 : i32
      %add3A_124 = vector.broadcast %add3A_123 : i32 to vector<16xi32>
      %add3A_125 = arith.addi %add3A_124, %iota3A : vector<16xi32>
      %mul3A_126 = arith.constant 200 : i32
      %mul3A_127 = vector.broadcast %mul3A_126 : i32 to vector<16xi32>
      %mul3A_128 = arith.muli %add3A_125, %mul3A_127 : vector<16xi32>
      %add3A_129 = vector.broadcast %scan3A_51 : i32 to vector<16xi32>
      %add3A_130 = arith.addi %mul3A_128, %add3A_129 : vector<16xi32>
      %gather3A_131 = tpu.vector_load_idx %arg8[%add3A_130] : memref<25600xi32, #tpu.memory_space<vmem>>[vector<16xi32>], vector<16xi32>,
      %swap3A_132 = arith.index_cast %scan3A_51 : i32 to index
      %swap3A_133 = arith.constant 96 : index
      %swap3A_134 = tpu.vector_load %arg10[%swap3A_132, %swap3A_133] {strides = array<i32>} : memref<200x128xi32, #tpu.memory_space<vmem>>, vector<16xi32>,
      tpu.vector_store %arg10[%swap3A_132, %swap3A_133], %gather3A_131 {strides = array<i32>} : memref<200x128xi32, #tpu.memory_space<vmem>>, vector<16xi32>,
      %add3A_135 = arith.constant 112 : i32
      %add3A_136 = vector.broadcast %add3A_135 : i32 to vector<16xi32>
      %add3A_137 = arith.addi %add3A_136, %iota3A : vector<16xi32>
      %mul3A_138 = arith.constant 200 : i32
      %mul3A_139 = vector.broadcast %mul3A_138 : i32 to vector<16xi32>
      %mul3A_140 = arith.muli %add3A_137, %mul3A_139 : vector<16xi32>
      %add3A_141 = vector.broadcast %scan3A_51 : i32 to vector<16xi32>
      %add3A_142 = arith.addi %mul3A_140, %add3A_141 : vector<16xi32>
      %gather3A_143 = tpu.vector_load_idx %arg8[%add3A_142] : memref<25600xi32, #tpu.memory_space<vmem>>[vector<16xi32>], vector<16xi32>,
      %swap3A_144 = arith.index_cast %scan3A_51 : i32 to index
      %swap3A_145 = arith.constant 112 : index
      %swap3A_146 = tpu.vector_load %arg10[%swap3A_144, %swap3A_145] {strides = array<i32>} : memref<200x128xi32, #tpu.memory_space<vmem>>, vector<16xi32>,
      tpu.vector_store %arg10[%swap3A_144, %swap3A_145], %gather3A_143 {strides = array<i32>} : memref<200x128xi32, #tpu.memory_space<vmem>>, vector<16xi32>,
      %dma_start3A = arith.constant 0 : i32
      %dma_start3A_147 = tpu.memref_slice %arg10[%scan3A_51, %dma_start3A] : memref<200x128xi32, #tpu.memory_space<vmem>> -> memref<1x128xi32, #tpu.memory_space<vmem>>
      %dma_start3A_148 = tpu.memref_squeeze %dma_start3A_147 : memref<1x128xi32, #tpu.memory_space<vmem>> -> memref<128xi32, #tpu.memory_space<vmem>>
      %dma_start3A_149 = arith.constant 0 : i32
      %dma_start3A_150 = arith.constant 0 : i32
      %dma_start3A_151 = tpu.memref_slice %arg2[%dma_start3A_149, %dma_start3A_150] : memref<100000x64xf32, #tpu.memory_space<hbm>> -> memref<100000x64xf32, #tpu.memory_space<hbm>>
      tpu.enqueue_indirect_dma source(%dma_start3A_151 : memref<100000x64xf32, #tpu.memory_space<hbm>>) target(%arg12 : memref<128x64xf32, #tpu.memory_space<vmem>>) offsets(%dma_start3A_148 : memref<128xi32, #tpu.memory_space<vmem>>) semaphore(%arg14 : memref<!tpu.dma_semaphore, #tpu.memory_space<semaphore_mem>>) {add = true}
      %scan3A_152 = arith.constant 0 : i32
      scf.yield %scan3A_152 : i32
    }
    %scan3A_36 = arith.constant 200 : i32
    %scan3A_37 = arith.constant 0 : i32
    %scan3A_38 = arith.constant 0 : i32
    %scan3A_39 = arith.constant 50 : i32
    %scan3A_40 = arith.addi %scan3A_38, %scan3A_39 : i32
    %scan3A_41 = arith.constant 1 : i32
    %scan3A_42 = scf.for %scan3A_51 = %scan3A_38 to %scan3A_40 step %scan3A_41 iter_args(%scan3A_52 = %scan3A_37) -> (i32)  : i32 {
      %dma_wait3A = arith.constant 0 : i32
      %dma_wait3A_53 = arith.constant 0 : i32
      %dma_wait3A_54 = tpu.memref_slice %arg9[%dma_wait3A, %dma_wait3A_53] : memref<50x128xi32, #tpu.memory_space<vmem>> -> memref<1x128xi32, #tpu.memory_space<vmem>>
      %dma_wait3A_55 = tpu.memref_squeeze %dma_wait3A_54 : memref<1x128xi32, #tpu.memory_space<vmem>> -> memref<128xi32, #tpu.memory_space<vmem>>
      %dma_wait3A_56 = arith.constant 0 : i32
      %dma_wait3A_57 = arith.constant 0 : i32
      %dma_wait3A_58 = tpu.memref_slice %arg2[%dma_wait3A_56, %dma_wait3A_57] : memref<100000x64xf32, #tpu.memory_space<hbm>> -> memref<100000x64xf32, #tpu.memory_space<hbm>>
      tpu.wait_indirect_dma semaphore(%arg13 : memref<!tpu.dma_semaphore, #tpu.memory_space<semaphore_mem>>) src(%dma_wait3A_58 : memref<100000x64xf32, #tpu.memory_space<hbm>>) dst(%arg11 : memref<128x64xf32, #tpu.memory_space<vmem>>)
      %scan3A_59 = arith.constant 0 : i32
      scf.yield %scan3A_59 : i32
    }
    %scan3A_43 = arith.constant 50 : i32
    %scan3A_44 = arith.constant 0 : i32
    %scan3A_45 = arith.constant 0 : i32
    %scan3A_46 = arith.constant 200 : i32
    %scan3A_47 = arith.addi %scan3A_45, %scan3A_46 : i32
    %scan3A_48 = arith.constant 1 : i32
    %scan3A_49 = scf.for %scan3A_51 = %scan3A_45 to %scan3A_47 step %scan3A_48 iter_args(%scan3A_52 = %scan3A_44) -> (i32)  : i32 {
      %dma_wait3A = arith.constant 0 : i32
      %dma_wait3A_53 = arith.constant 0 : i32
      %dma_wait3A_54 = tpu.memref_slice %arg10[%dma_wait3A, %dma_wait3A_53] : memref<200x128xi32, #tpu.memory_space<vmem>> -> memref<1x128xi32, #tpu.memory_space<vmem>>
      %dma_wait3A_55 = tpu.memref_squeeze %dma_wait3A_54 : memref<1x128xi32, #tpu.memory_space<vmem>> -> memref<128xi32, #tpu.memory_space<vmem>>
      %dma_wait3A_56 = arith.constant 0 : i32
      %dma_wait3A_57 = arith.constant 0 : i32
      %dma_wait3A_58 = tpu.memref_slice %arg2[%dma_wait3A_56, %dma_wait3A_57] : memref<100000x64xf32, #tpu.memory_space<hbm>> -> memref<100000x64xf32, #tpu.memory_space<hbm>>
      tpu.wait_indirect_dma semaphore(%arg14 : memref<!tpu.dma_semaphore, #tpu.memory_space<semaphore_mem>>) src(%dma_wait3A_58 : memref<100000x64xf32, #tpu.memory_space<hbm>>) dst(%arg12 : memref<128x64xf32, #tpu.memory_space<vmem>>)
      %scan3A_59 = arith.constant 0 : i32
      scf.yield %scan3A_59 : i32
    }
    %scan3A_50 = arith.constant 200 : i32
    "tpu.region"() ({
      %run_scoped3A = tpu.sem_alloc : memref<!tpu.dma_semaphore, #tpu.memory_space<semaphore_mem>>
      %dma_start3A = arith.constant 0 : i32
      %dma_start3A_51 = tpu.memref_slice %arg5[%mul3A_2, %dma_start3A] : memref<4096x64xf32, #tpu.memory_space<hbm>> -> memref<128x64xf32, #tpu.memory_space<hbm>>
      %dma_start3A_52 = arith.constant 0 : i32
      %dma_start3A_53 = tpu.memref_slice %arg5[%mul3A_2, %dma_start3A_52] : memref<4096x64xf32, #tpu.memory_space<hbm>> -> memref<128x64xf32, #tpu.memory_space<hbm>>
      tpu.enqueue_dma source(%arg11 : memref<128x64xf32, #tpu.memory_space<vmem>>) target(%dma_start3A_53 : memref<128x64xf32, #tpu.memory_space<hbm>>) target_semaphore(%run_scoped3A : memref<!tpu.dma_semaphore, #tpu.memory_space<semaphore_mem>>)
      %dma_wait3A = arith.constant 0 : i32
      %dma_wait3A_54 = tpu.memref_slice %arg5[%mul3A_2, %dma_wait3A] : memref<4096x64xf32, #tpu.memory_space<hbm>> -> memref<128x64xf32, #tpu.memory_space<hbm>>
      %dma_wait3A_55 = arith.constant 0 : i32
      %dma_wait3A_56 = tpu.memref_slice %arg5[%mul3A_2, %dma_wait3A_55] : memref<4096x64xf32, #tpu.memory_space<hbm>> -> memref<128x64xf32, #tpu.memory_space<hbm>>
      tpu.wait_dma2 semaphore(%run_scoped3A : memref<!tpu.dma_semaphore, #tpu.memory_space<semaphore_mem>>) src(%arg11 : memref<128x64xf32, #tpu.memory_space<vmem>>) dst(%dma_wait3A_56 : memref<128x64xf32, #tpu.memory_space<hbm>>)
      tpu.yield
    }) : () -> ()
    "tpu.region"() ({
      %run_scoped3A = tpu.sem_alloc : memref<!tpu.dma_semaphore, #tpu.memory_space<semaphore_mem>>
      %dma_start3A = arith.constant 0 : i32
      %dma_start3A_51 = tpu.memref_slice %arg6[%mul3A_2, %dma_start3A] : memref<4096x64xf32, #tpu.memory_space<hbm>> -> memref<128x64xf32, #tpu.memory_space<hbm>>
      %dma_start3A_52 = arith.constant 0 : i32
      %dma_start3A_53 = tpu.memref_slice %arg6[%mul3A_2, %dma_start3A_52] : memref<4096x64xf32, #tpu.memory_space<hbm>> -> memref<128x64xf32, #tpu.memory_space<hbm>>
      tpu.enqueue_dma source(%arg12 : memref<128x64xf32, #tpu.memory_space<vmem>>) target(%dma_start3A_53 : memref<128x64xf32, #tpu.memory_space<hbm>>) target_semaphore(%run_scoped3A : memref<!tpu.dma_semaphore, #tpu.memory_space<semaphore_mem>>)
      %dma_wait3A = arith.constant 0 : i32
      %dma_wait3A_54 = tpu.memref_slice %arg6[%mul3A_2, %dma_wait3A] : memref<4096x64xf32, #tpu.memory_space<hbm>> -> memref<128x64xf32, #tpu.memory_space<hbm>>
      %dma_wait3A_55 = arith.constant 0 : i32
      %dma_wait3A_56 = tpu.memref_slice %arg6[%mul3A_2, %dma_wait3A_55] : memref<4096x64xf32, #tpu.memory_space<hbm>> -> memref<128x64xf32, #tpu.memory_space<hbm>>
      tpu.wait_dma2 semaphore(%run_scoped3A : memref<!tpu.dma_semaphore, #tpu.memory_space<semaphore_mem>>) src(%arg12 : memref<128x64xf32, #tpu.memory_space<vmem>>) dst(%dma_wait3A_56 : memref<128x64xf32, #tpu.memory_space<hbm>>)
      tpu.yield
    }) : () -> ()
    return
  }
}

module attributes {stable_mosaic.version = 14 : i64} {
  func.func @_head_body(%arg0: i32, %arg1: memref<1024x50xi32, #tpu.memory_space<vmem>>, %arg2: memref<1024x200xi32, #tpu.memory_space<vmem>>, %arg3: memref<1024x64xf32, #tpu.memory_space<vmem>>, %arg4: memref<1024x64xf32, #tpu.memory_space<vmem>>, %arg5: memref<1000x64xf32, #tpu.memory_space<vmem>>, %arg6: memref<1000x1024xf32, #tpu.memory_space<vmem>>) attributes {dimension_semantics = [#tpu.dimension_semantics<arbitrary>], iteration_bounds = array<i64: 4>, scalar_prefetch = 0 : i64, scratch_operands = 0 : i64, tpu.core_type = #tpu.core_type<tc>, window_params = [{transform_indices = @transform_0, window_bounds = array<i64: 1024, 50>}, {transform_indices = @transform_1, window_bounds = array<i64: 1024, 200>}, {transform_indices = @transform_2, window_bounds = array<i64: 1024, 64>}, {transform_indices = @transform_3, window_bounds = array<i64: 1024, 64>}, {pipeline_mode = #tpu.pipeline_mode<synchronous>, transform_indices = @transform_4, window_bounds = array<i64: 1000, 64>}, {transform_indices = @transform_5, window_bounds = array<i64: 1000, 1024>}]} {
    %get3A = arith.constant 0 : index
    %get3A_0 = arith.constant 0 : index
    %get3A_1 = vector.load %arg1[%get3A, %get3A_0] : memref<1024x50xi32, #tpu.memory_space<vmem>>, vector<1024x50xi32>
    %gt3A = arith.constant 0 : i32
    %gt3A_2 = vector.broadcast %gt3A : i32 to vector<1024x50xi32>
    %gt3A_3 = arith.cmpi sgt, %get3A_1, %gt3A_2 : vector<1024x50xi32>
    %convert_element_type3A = arith.extui %gt3A_3 : vector<1024x50xi1> to vector<1024x50xi32>
    %convert_element_type3A_4 = arith.sitofp %convert_element_type3A : vector<1024x50xi32> to vector<1024x50xf32>
    %reduce_sum3A = arith.constant dense<0.000000e+00> : vector<1024xf32>
    %reduce_sum3A_5 = vector.multi_reduction <add>, %convert_element_type3A_4, %reduce_sum3A [1] : vector<1024x50xf32> to vector<1024xf32>
    %broadcast_in_dim3A = vector.shape_cast %reduce_sum3A_5 : vector<1024xf32> to vector<1024x1xf32>
    %get3A_6 = arith.constant 0 : index
    %get3A_7 = arith.constant 0 : index
    %get3A_8 = vector.load %arg2[%get3A_6, %get3A_7] : memref<1024x200xi32, #tpu.memory_space<vmem>>, vector<1024x200xi32>
    %gt3A_9 = arith.constant 0 : i32
    %gt3A_10 = vector.broadcast %gt3A_9 : i32 to vector<1024x200xi32>
    %gt3A_11 = arith.cmpi sgt, %get3A_8, %gt3A_10 : vector<1024x200xi32>
    %convert_element_type3A_12 = arith.extui %gt3A_11 : vector<1024x200xi1> to vector<1024x200xi32>
    %convert_element_type3A_13 = arith.sitofp %convert_element_type3A_12 : vector<1024x200xi32> to vector<1024x200xf32>
    %reduce_sum3A_14 = arith.constant dense<0.000000e+00> : vector<1024xf32>
    %reduce_sum3A_15 = vector.multi_reduction <add>, %convert_element_type3A_13, %reduce_sum3A_14 [1] : vector<1024x200xf32> to vector<1024xf32>
    %broadcast_in_dim3A_16 = vector.shape_cast %reduce_sum3A_15 : vector<1024xf32> to vector<1024x1xf32>
    %get3A_17 = arith.constant 0 : index
    %get3A_18 = arith.constant 0 : index
    %get3A_19 = vector.load %arg3[%get3A_17, %get3A_18] : memref<1024x64xf32, #tpu.memory_space<vmem>>, vector<1024x64xf32>
    %mul3A = arith.constant 3.000000e-01 : f32
    %mul3A_20 = vector.broadcast %mul3A : f32 to vector<1024x64xf32>
    %mul3A_21 = arith.mulf %mul3A_20, %get3A_19 : vector<1024x64xf32>
    %div3A = vector.broadcast %broadcast_in_dim3A : vector<1024x1xf32> to vector<1024x64xf32>
    %div3A_22 = arith.divf %mul3A_21, %div3A : vector<1024x64xf32>
    %get3A_23 = arith.constant 0 : index
    %get3A_24 = arith.constant 0 : index
    %get3A_25 = vector.load %arg4[%get3A_23, %get3A_24] : memref<1024x64xf32, #tpu.memory_space<vmem>>, vector<1024x64xf32>
    %mul3A_26 = arith.constant 0.699999988 : f32
    %mul3A_27 = vector.broadcast %mul3A_26 : f32 to vector<1024x64xf32>
    %mul3A_28 = arith.mulf %mul3A_27, %get3A_25 : vector<1024x64xf32>
    %div3A_29 = vector.broadcast %broadcast_in_dim3A_16 : vector<1024x1xf32> to vector<1024x64xf32>
    %div3A_30 = arith.divf %mul3A_28, %div3A_29 : vector<1024x64xf32>
    %add3A = arith.addf %div3A_22, %div3A_30 : vector<1024x64xf32>
    %get3A_31 = arith.constant 0 : index
    %get3A_32 = arith.constant 0 : index
    %get3A_33 = vector.load %arg5[%get3A_31, %get3A_32] : memref<1000x64xf32, #tpu.memory_space<vmem>>, vector<1000x64xf32>
    %dot_general3A = arith.constant dense<0.000000e+00> : vector<1000x1024xf32>
    %dot_general3A_34 = tpu.matmul %get3A_33, %add3A, %dot_general3A {dimension_numbers = #tpu.dot_dimension_numbers<[1], [1], [0], [0], [0, 0, 1, 0], [], []>, transpose_lhs_hint = false} : vector<1000x64xf32>, vector<1024x64xf32>, vector<1000x1024xf32> -> vector<1000x1024xf32>
    %reduce_max3A = arith.constant dense<0xFF800000> : vector<1024xf32>
    %reduce_max3A_35 = vector.multi_reduction <maximumf>, %dot_general3A_34, %reduce_max3A [0] : vector<1000x1024xf32> to vector<1024xf32>
    %broadcast_in_dim3A_36 = vector.shape_cast %reduce_max3A_35 : vector<1024xf32> to vector<1x1024xf32>
    %sub3A = vector.broadcast %broadcast_in_dim3A_36 : vector<1x1024xf32> to vector<1000x1024xf32>
    %sub3A_37 = arith.subf %dot_general3A_34, %sub3A : vector<1000x1024xf32>
    %exp3A = math.exp %sub3A_37 : vector<1000x1024xf32>
    %reduce_sum3A_38 = arith.constant dense<0.000000e+00> : vector<1024xf32>
    %reduce_sum3A_39 = vector.multi_reduction <add>, %exp3A, %reduce_sum3A_38 [0] : vector<1000x1024xf32> to vector<1024xf32>
    %broadcast_in_dim3A_40 = vector.shape_cast %reduce_sum3A_39 : vector<1024xf32> to vector<1x1024xf32>
    %div3A_41 = vector.broadcast %broadcast_in_dim3A_40 : vector<1x1024xf32> to vector<1000x1024xf32>
    %div3A_42 = arith.divf %exp3A, %div3A_41 : vector<1000x1024xf32>
    %swap3A = arith.constant 0 : index
    %swap3A_43 = arith.constant 0 : index
    %swap3A_44 = vector.load %arg6[%swap3A, %swap3A_43] : memref<1000x1024xf32, #tpu.memory_space<vmem>>, vector<1000x1024xf32>
    tpu.vector_store %arg6[%swap3A, %swap3A_43], %div3A_42 {strides = array<i32>} : memref<1000x1024xf32, #tpu.memory_space<vmem>>, vector<1000x1024xf32>,
    return
  }
  func.func @transform_0(%arg0: i32) -> (i32, i32) {
    %c0_i32 = arith.constant 0 : i32
    %c0_i32_0 = arith.constant 0 : i32
    return %arg0, %c0_i32 : i32, i32
  }
  func.func @transform_1(%arg0: i32) -> (i32, i32) {
    %c0_i32 = arith.constant 0 : i32
    %c0_i32_0 = arith.constant 0 : i32
    return %arg0, %c0_i32 : i32, i32
  }
  func.func @transform_2(%arg0: i32) -> (i32, i32) {
    %c0_i32 = arith.constant 0 : i32
    %c0_i32_0 = arith.constant 0 : i32
    return %arg0, %c0_i32 : i32, i32
  }
  func.func @transform_3(%arg0: i32) -> (i32, i32) {
    %c0_i32 = arith.constant 0 : i32
    %c0_i32_0 = arith.constant 0 : i32
    return %arg0, %c0_i32 : i32, i32
  }
  func.func @transform_4(%arg0: i32) -> (i32, i32) {
    %c0_i32 = arith.constant 0 : i32
    %c0_i32_0 = arith.constant 0 : i32
    %c0_i32_1 = arith.constant 0 : i32
    return %c0_i32, %c0_i32_0 : i32, i32
  }
  func.func @transform_5(%arg0: i32) -> (i32, i32) {
    %c0_i32 = arith.constant 0 : i32
    %c0_i32_0 = arith.constant 0 : i32
    return %c0_i32, %arg0 : i32, i32
  }
}

</mosaic_0001>

<sc_bundles>
// kernel: kernel.4.cloned.1.call-start
scs
__scs_entry_jumppad:
0x0: {  	(pc) =	sbr.rel $0x88, $3  }
0x1: {  	(tag) =	ssettag $0x0;
	lr =	simm.s32 $0x1  }
0x2: {  	[smem:$0x3F9D] =	sst lr;
	_ =	strace $0xD0000000  }
0x3: {  	_ = 	snop  }
0x4: {  	_ = 	snop  }
0x5: {  	_ = 	snop  }
0x6: {  	_ = 	snop  }
0x7: {  	_ = 	snop  }
__scs_overlays_trampoline_lowered:
0x8: {  	[smem:$0x3FAC] =	sst s0  }
0x9: {  	[smem:$0x3FAD] =	sst s1  }
0xa: {  	[smem:$0x3FAE] =	sst s2  }
0xb: {  	[smem:$0x3FAF] =	sst s3  }
0xc: {  	[smem:$0x3FB0] =	sst s4  }
0xd: {  	[smem:$0x3FB1] =	sst s5  }
0xe: {  	[smem:$0x3FB2] =	sst s6  }
0xf: {  	[smem:$0x3FB3] =	sst s7  }
0x10: {  	[smem:$0x3FB4] =	sst s8  }
0x11: {  	[smem:$0x3FB5] =	sst s9;
	s0 =	simm.s32 @!p0 $0x0  }
0x12: {  	s1 =	sld [smem:$0x3F9B];
	s0 =	simm.s32 @p0 $0x1  }
0x13: {  	[smem:$0x3FB6] =	sst s0;
	s0 =	simm.s32 @!p1 $0x0  }
0x14: {  	s2 =	sld [smem:$0x3F9A];
	s0 =	simm.s32 @p1 $0x1  }
0x15: {  	[smem:$0x3FB7] =	sst s0;
	s0 =	simm.s32 @!p2 $0x0  }
0x16: {  	s3 =	sld [smem:$0x3FDB];
	s0 =	simm.s32 @p2 $0x1  }
0x17: {  	s4 =	simm.s32 $0x1BF5;
	[smem:$0x3FB9] =	sst s0  }
0x18: {  	s0 =	sld [smem:$0x3F9C];
	_ =	swait.ge [sflag:s4], $0x0  }
0x19: {  	s7 =	sld [smem:$0x3F9D]  }
0x1a: {  	s8 =	sadd.s32 $0xFFFFE003, lr  }
0x1b: {  	s9 =	sadd.s32 $0xFFFFFEF7, lr;
	s5 =	simm.s32 $0xFFFFFFFF;
	p2 =	slt.u32 s8, $0xFFFFF086  }
0x1c: {  	p1 =	slt.u32 s9, $0xF7A;
	s5 =	simm.s32 @!p2 $0x0  }
0x1d: {  	s5 =	simm.s32 @p1 $0x1;
	p0 =	seq.s32 s7, s2  }
0x1e: {  	s7 =	smul.u32 @!p0 $0xF7A, s2;
	p2 =	seq.s32 @!p0 s5, $0x0  }
0x1f: {  	s9 =	smul.u32 $0xF7A, s1;
	s8 =	simm.s32 @!p0 $0x1BF5;
	p2 =	por !p2, p0  }
0x20: {  	[sflag:s8] =	ssyncset.s32 @!p0 $0xFFFFF086;
	s6 =	sadd.s32 @!p0 s3, s7;
	s7 =	simm.s32 @!p0 $0x108  }
0x21: {  	s3 =	sadd.s32 s3, s9;
	s6 =	sadd.s32 @!p0 $0x88, s6;
	s7 =	simm.s32 @p2 $0x1082  }
0x22: {  	[simem:s7], [sflag:s8] =	dma.local @!p0 [hbm:s6], $0xF7A  }
0x23: {  	s9 =	sor.u32 $0xD0000000, s2;
	s6 =	simm.s32 $0x108;
	_ =	swait.ge @!p0 [sflag:s8], $0x0  }
0x24: {  	s3 =	sadd.s32 $0x88, s3;
	s6 =	simm.s32 @!p1 $0x1082;
	[sflag:s4] =	ssyncset.s32 $0xFFFFF086  }
0x25: {  	[simem:s6], [sflag:s4] =	dma.local [hbm:s3], $0xF7A  }
0x26: {  	[smem:$0x3F9D] =	sst s1;
	(tag) =	ssettag s2;
	_ =	strace s9  }
0x27: {  	s1 =	sld [smem:$0x3FAD]  }
0x28: {  	s2 =	sld [smem:$0x3FAE]  }
0x29: {  	s4 =	sld [smem:$0x3FB0]  }
0x2a: {  	p0 =	seq.s32 s5, $0x0;
	s5 =	sld [smem:$0x3FB1]  }
0x2b: {  	s6 =	sld [smem:$0x3FB2]  }
0x2c: {  	s7 =	sld [smem:$0x3FB3]  }
0x2d: {  	s3 =	simm.s32 $0x108;
	s8 =	sld [smem:$0x3FB4]  }
0x2e: {  	s3 =	simm.s32 @!p0 $0x1082;
	s9 =	sld [smem:$0x3FB5]  }
0x2f: {  	lr =	sadd.s32 s0, s3;
	s0 =	sld [smem:$0x3FAC]  }
0x30: {  	s3 =	sld [smem:$0x3FAF]  }
0x31: {  	[smem:$0x3FB8] =	sst s10  }
0x32: {  	s10 =	sld [smem:$0x3FB6];
	_ =	sdelay $0x3  }
0x33: {  	p0 =	seq.s32 s10, $0x1;
	s10 =	sld [smem:$0x3FB8];
	_ =	sdelay $0x3  }
0x34: {  	[smem:$0x3FB8] =	sst s10  }
0x35: {  	s10 =	sld [smem:$0x3FB7];
	_ =	sdelay $0x3  }
0x36: {  	p1 =	seq.s32 s10, $0x1;
	s10 =	sld [smem:$0x3FB8];
	_ =	sdelay $0x3  }
0x37: {  	[smem:$0x3FB8] =	sst s10  }
0x38: {  	s10 =	sld [smem:$0x3FB9]  }
0x39: {  	_ = 	snop;
	(pc) =	sbr.ind lr, $3  }
0x3a: {  	_ = 	snop  }
0x3b: {  	_ = 	snop  }
0x3c: {  	p2 =	seq.s32 s10, $0x1;
	s10 =	sld [smem:$0x3FB8]  }
0x3d: {  	_ =	shalt  }
0x3e: {  	_ =	shalt  }
0x3f: {  	_ =	shalt  }
0x40: {  	_ =	shalt  }
0x41: {  	_ =	shalt  }
0x42: {  	_ =	shalt  }
0x43: {  	_ =	shalt  }
0x44: {  	_ =	shalt  }
0x45: {  	_ =	shalt  }
0x46: {  	_ =	shalt  }
0x47: {  	_ =	shalt  }
0x48: {  	_ =	shalt  }
0x49: {  	_ =	shalt  }
0x4a: {  	_ =	shalt  }
0x4b: {  	_ =	shalt  }
0x4c: {  	_ =	shalt  }
0x4d: {  	_ =	shalt  }
0x4e: {  	_ =	shalt  }
0x4f: {  	_ =	shalt  }
0x50: {  	_ =	shalt  }
0x51: {  	_ =	shalt  }
0x52: {  	_ =	shalt  }
0x53: {  	_ =	shalt  }
0x54: {  	_ =	shalt  }
0x55: {  	_ =	shalt  }
0x56: {  	_ =	shalt  }
0x57: {  	_ =	shalt  }
0x58: {  	_ =	shalt  }
0x59: {  	_ =	shalt  }
0x5a: {  	_ =	shalt  }
0x5b: {  	_ =	shalt  }
0x5c: {  	_ =	shalt  }
0x5d: {  	_ =	shalt  }
0x5e: {  	_ =	shalt  }
0x5f: {  	_ =	shalt  }
0x60: {  	_ =	shalt  }
0x61: {  	_ =	shalt  }
0x62: {  	_ =	shalt  }
0x63: {  	_ =	shalt  }
0x64: {  	_ =	shalt  }
0x65: {  	_ =	shalt  }
0x66: {  	_ =	shalt  }
0x67: {  	_ =	shalt  }
0x68: {  	_ =	shalt  }
0x69: {  	_ =	shalt  }
0x6a: {  	_ =	shalt  }
0x6b: {  	_ =	shalt  }
0x6c: {  	_ =	shalt  }
0x6d: {  	_ =	shalt  }
0x6e: {  	_ =	shalt  }
0x6f: {  	_ =	shalt  }
0x70: {  	_ =	shalt  }
0x71: {  	_ =	shalt  }
0x72: {  	_ =	shalt  }
0x73: {  	_ =	shalt  }
0x74: {  	_ =	shalt  }
0x75: {  	_ =	shalt  }
0x76: {  	_ =	shalt  }
0x77: {  	_ =	shalt  }
0x78: {  	_ =	shalt  }
0x79: {  	_ =	shalt  }
0x7a: {  	_ =	shalt  }
0x7b: {  	_ =	shalt  }
0x7c: {  	_ =	shalt  }
0x7d: {  	_ =	shalt  }
0x7e: {  	_ =	shalt  }
0x7f: {  	_ =	shalt  }
0x80: {  	_ =	shalt  }
0x81: {  	_ =	shalt  }
0x82: {  	_ =	shalt  }
0x83: {  	_ =	shalt  }
0x84: {  	_ =	shalt  }
0x85: {  	_ =	shalt  }
0x86: {  	_ =	shalt  }
0x87: {  	_ =	shalt  }
.Lfunc_end0:
.L_simem_size_0:
called_computation_lowered:
.L_overlay_start_0:
0x88: {  	s2 =	sld [smem:$0x3FD9]  }
0x89: {  	s3 =	sld [smem:$0x3FFE];
	_ =	sdelay $0x1  }
0x8a: {  	s1 =	srdreg.scid  }
0x8b: {  	s0 =	sand.u32 $0x1, s1  }
0x8c: {  	s17 =	sshll.u32 s0, $0xA;
	s2 =	sadd.s32 s3, s2  }
0x8d: {  	s2 =	sadd.s32 s2, s17  }
0x8e: {  	[smem:$0x3FC4] =	sst s2  }
0x8f: {  	_ = 	snop  }
0x90: {  	s2 =	sld [smem:$0x3FD0];
	(tm) =	ssettm $0x1  }
0x91: {  	s18 =	sld [smem:$0x3FFB];
	_ =	sdelay $0x3  }
0x92: {  	_ =	strace s18  }
0x93: {  	s3 =	sld [smem:$0x3FFC];
	_ =	sdelay $0x3  }
0x94: {  	_ =	strace s3  }
0x95: {  	s3 =	sld [smem:$0x3FFD];
	_ =	sdelay $0x3  }
0x96: {  	_ =	strace s3  }
0x97: {  	_ =	strace $0x8FFFFFFF  }
0x98: {  	s19 =	sld [smem:$0x3FDB];
	_ =	sdelay $0x1  }
0x99: {  	s4 =	simm.s32 $_scs_section_size  }
0x9a: {  	s5 =	simm.s32 $_size__tile_overlayer_lowered;
	s6 =	simm.s32 $_tile_overlayer_lowered  }
0x9b: {  	s22 =	simm.s32 $0x1BFF;
	s21 =	sshll.u32 s6, $0x1;
	s3 =	sadd.s32 s4, s19  }
0x9c: {  	s7 =	simm.s32 $0x0;
	s20 =	sshll.u32 s5, $0x1;
	s5 =	sadd.s32 s21, s3  }
0x9d: {  	[timem:s7], [sflag:s22] =	dma.local [hbm:s5], s20  }
0x9e: {  	_ =	swait.ge [sflag:s22], s20  }
0x9f: {  	s4 =	ssub.s32 $0x0, s20;
	[sflag:s22] =	ssyncset.done $0x0  }
0xa0: {  	[sflag:s22] =	ssyncadd.s32 s4;
	_ =	sdelay $0x1  }
0xa1: {  	s23 =	simm.s32 $0x1B8B  }
0xa2: {  	_ =	swait.ge [sflag:s23], $0x1  }
0xa3: {  	[sflag:s23] =	ssyncset.done $0x0  }
0xa4: {  	s25 =	simm.s32 $0x1B8E;
	s24 =	sld [smem:$0x3FFE];
	[sflag:s23] =	ssyncadd.s32 $0xFFFFFFFF  }
0xa5: {  	s26 =	simm.s32 $execute0_lowered;
	[smem:$0x3FD2] =	sst s25  }
0xa6: {  	s5 =	sshll.u32 s26, $0x1;
	_ =	strace $0x80000046;
	[dreg:$0x1] =	wrdreg $0xFFFFFFFF  }
0xa7: {  	s28 =	simm.s32 $_size_execute0_lowered;
	s3 =	sadd.s32 s3, s5;
	[dreg:$0x0] =	wrdreg $0x0  }
0xa8: {  	s5 =	sshll.u32 s28, $0x1;
	[dreg:$0x2] =	wrdreg s3  }
0xa9: {  	[dreg:$0x3] =	wrdreg s5  }
0xaa: {  	[dreg:$0x4] =	wrdreg $0xC0  }
0xab: {  	_ =	task [dreg:s7], $0x5FFFF  }
0xac: {  	[dreg:$0x1] =	wrdreg $0xFFFFFFFF  }
0xad: {  	[dreg:$0x0] =	wrdreg $0x60  }
0xae: {  	[dreg:$0x2] =	wrdreg s24  }
0xaf: {  	[dreg:$0x3] =	wrdreg s2  }
0xb0: {  	[dreg:$0x4] =	wrdreg $0x9  }
0xb1: {  	_ =	task.clear_ibuf [dreg:s7], $0x5FFFF;
	_ =	strace $0x90000046  }
0xb2: {  	s29 =	simm.s32 $0x9;
	_ =	strace $0x80000048  }
0xb3: {  	_ =	swait.ge [sflag:s29], $0x1  }
0xb4: {  	[sflag:s29] =	ssyncadd.s32 $0xFFFFFFFF  }
0xb5: {  	_ =	strace $0x90000048  }
0xb6: {  	_ =	sfence  }
0xb7: {  	s30 =	sld [smem:$0x0];
	_ =	sdelay $0x2  }
0xb8: {  	s31 =	sshll.u32 s1, $0xD;
	s1 =	sshrl.u32 s1, $0x2  }
0xb9: {  	s3 =	sand.u32 $0x4000, s31;
	s1 =	sadd.s32 s1, s30  }
0xba: {  	s0 =	sor.u32 s3, s0;
	s1 =	sshll.u32 s1, $0x11  }
0xbb: {  	s0 =	sor.u32 s1, s0  }
0xbc: {  	s0 =	sadd.s32 $0x8F2B, s0  }
0xbd: {  	[sflag:s0] =	ssyncadd.remote.s32 $0x1  }
0xbe: {  	_ =	sfence.sel $0xFFFF  }
0xbf: {  	[dreg:$0x0] =	wrdreg $0xFFFFFFFF;
	(pc) =	sbr.abs _section_cstart, $3  }
0xc0: {  	[dreg:$0x1] =	wrdreg $0xFFFFFFFF  }
0xc1: {  	_ =	task.clear_ibuf [dreg:s7], $0x2FFFF;
	_ =	strace $0x9FFFFFFF  }
0xc2: {  	(tm) =	ssettm $0x7FFFFFFF  }
0xc3: {  	_ =	shalt  }
tec
execute0_lowered:
.L_overlay_start_1:
0x0: {  	(tag) =	ssettag $0x1  }
0x1: {  	s4 =	rddreg [dreg:$0x0]  }
0x2: {  	s1 =	srdreg.scid;
	s0 =	stileid.u32  }
0x3: {  	s5 =	rddreg [dreg:$0x1];
	s2 =	simm.s32 $0x0;
	s11 =	simm.s32 $0x80  }
0x4: {  	s12 =	simm.s32 $0xFA00;
	s13 =	simm.s32 $0x11A00;
	s14 =	simm.s32 $0x1  }
0x5: {  	v4 =	vlaneseq.u32;
	s15 =	simm.s32 $0x2;
	s6 =	sand.u32 $0x1, s1;
	s3 =	sshll.u32 s0, $0x1  }
0x6: {  	s16 =	simm.s32 $0x0;
	[smem:$0x7FF] =	sst s2;
	v0 =	vmul.u32 $0x32, v4;
	s7 =	sor.u32 s6, s3  }
0x7: {  	v1 =	vimm.f32 $0.0e+00;
	s1 =	rddreg [dreg:$0x2];
	_ =	strace $0x80000047;
	s8 =	smul.u32 $0x320, s7  }
0x8: {  	v4 =	vmul.u32 $0xC8, v4;
	s6 =	ssub.s32 $0x2, s6;
	s9 =	sshll.u32 s7, $0xA;
	s7 =	smul.u32 $0xC80, s7;
	v2 =	vadd.s32 $0x320, v0;
	v3 =	vadd.s32 $0x640, v0  }
0x9: {  	s3 =	sadd.s32 $0x187400, s4;
	s10 =	sshrl.u32 s6, $0x1;
	v5 =	vadd.s32 $0x960, v0;
	v6 =	vadd.s32 $0xC80, v0;
	v7 =	vadd.s32 $0xFA0, v0;
	s9 =	sadd.s32 s9, s4  }
0xa: {  	v8 =	vadd.s32 $0x12C0, v0;
	v9 =	vadd.s32 $0x15E0, v0;
	v10 =	vadd.s32 $0xC80, v4;
	s10 =	ssub.s32 s6, s10;
	s8 =	sadd.s32 s8, s4;
	s5 =	sadd.s32 s5, s7  }
0xb: {  	v11 =	vadd.s32 $0x1900, v4;
	v12 =	vadd.s32 $0x2580, v4;
	v13 =	vadd.s32 $0x3200, v4;
	s6 =	sadd.s32 $0x6E00, s9;
	s7 =	sadd.s32 $0xEE00, s9;
	s9 =	simm.s32 $0x3  }
0xc: {  	v14 =	vadd.s32 $0x3E80, v4;
	v15 =	vadd.s32 $0x4B00, v4;
	v16 =	vadd.s32 $0x5780, v4;
	s4 =	sadd.s32 $0xA00, s8;
	s8 =	smax.u32 s10, $0x1;
	s10 =	simm.s32 $0x1900  }
.LBB2_1:
0xd: {  	[tilespmem:s2], [sflag:$0x3] =	stream.linear.gather [hbm4b:s4+s2], $0x1900, $0x38;
	[tilespmem:$0x13A00] =	vst v63  }
0xe: {  	_ =	swait.ge [sflag:s9], $0x1900  }
0xf: {  	[sflag:s9] =	ssyncset.done $0x0  }
0x10: {  	[sflag:s9] =	ssyncadd.s32 $0xFFFFE700  }
0x11: {  	[tilespmem:s10], [sflag:$0x3] =	stream.linear.gather [hbm4b:s5+s2], $0x6400, $0x38;
	[tilespmem:$0x13A00] =	vst v63  }
0x12: {  	_ =	swait.ge [sflag:s9], $0x6400  }
0x13: {  	[sflag:s9] =	ssyncset.done $0x0  }
0x14: {  	s18 =	simm.s32 $0x100;
	s17 =	simm.s32 $0x0;
	[sflag:s9] =	ssyncadd.s32 $0xFFFF9C00  }
.LBB2_2:
0x15: {  	p0 =	sne.s32 s18, $0x7F00;
	[tilespmem:s17+$0xFA30] =	vst v1;
	s19 =	smov.u32 s18;
	s18 =	sadd.s32 $0x100, s18  }
.Ltmp0:
0x16: {  	[tilespmem:s17+$0xFA20] =	vst v1;
	(pc) =	sbr.rel @p0 .LBB2_2-.Ltmp0, $3  }
0x17: {  	[tilespmem:s17+$0xFA00] =	vst v1  }
0x18: {  	[tilespmem:s17+$0xFA10] =	vst v1;
	_ =	sdelay $0x1  }
0x19: {  	s17 =	sshra.s32 s19, $0x2  }
0x1a: {  	[tilespmem:s17+$0xFA30] =	vst v1  }
0x1b: {  	[tilespmem:s17+$0xFA20] =	vst v1  }
0x1c: {  	[tilespmem:s17+$0xFA00] =	vst v1  }
0x1d: {  	s18 =	simm.s32 $0x0;
	[tilespmem:s17+$0xFA10] =	vst v1;
	s17 =	simm.s32 $0x0  }
.LBB2_4:
0x1e: {  	p0 =	sne.s32 s17, $0x7F00  }
.Ltmp1:
0x1f: {  	s19 =	sshra.s32 s17, $0x2;
	(pc) =	sbr.rel @p0 .LBB2_4-.Ltmp1, $4  }
0x20: {  	[tilespmem:s19+$0x11A00] =	vst v1  }
0x21: {  	[tilespmem:s19+$0x11A10] =	vst v1  }
0x22: {  	[tilespmem:s19+$0x11A20] =	vst v1  }
0x23: {  	s17 =	sadd.s32 $0x100, s17;
	[tilespmem:s19+$0x11A30] =	vst v1  }
0x24: {  	v17 =	vadd.s32 s18, v0;
	_ =	sdelay $0x3  }
0x25: {  	s19 =	simm.s32 $0x0  }
0x26: {  	v17 =	vld.idx.msk [tilespmem:v17+s19+$0x0], $0xffff  }
0x27: {  	v18 =	vadd.s32 s18, v2;
	_ =	sdelay $0x2  }
0x28: {  	s17 =	simm.s32 $0x7D00  }
0x29: {  	[tilespmem:s17+$0x0] =	vst v17  }
0x2a: {  	v17 =	vld.idx.msk [tilespmem:v18+s19+$0x0], $0xffff  }
0x2b: {  	v18 =	vadd.s32 s18, v3;
	_ =	sdelay $0x3  }
0x2c: {  	[tilespmem:s17+$0x10] =	vst v17  }
0x2d: {  	v17 =	vld.idx.msk [tilespmem:v18+s19+$0x0], $0xffff  }
0x2e: {  	v18 =	vadd.s32 s18, v5;
	_ =	sdelay $0x3  }
0x2f: {  	[tilespmem:s17+$0x20] =	vst v17  }
0x30: {  	v17 =	vld.idx.msk [tilespmem:v18+s19+$0x0], $0xffff  }
0x31: {  	v18 =	vadd.s32 s18, v6;
	_ =	sdelay $0x3  }
0x32: {  	[tilespmem:s17+$0x30] =	vst v17  }
0x33: {  	v17 =	vld.idx.msk [tilespmem:v18+s19+$0x0], $0xffff  }
0x34: {  	v18 =	vadd.s32 s18, v7;
	_ =	sdelay $0x3  }
0x35: {  	[tilespmem:s17+$0x40] =	vst v17  }
0x36: {  	v17 =	vld.idx.msk [tilespmem:v18+s19+$0x0], $0xffff  }
0x37: {  	v18 =	vadd.s32 s18, v8;
	_ =	sdelay $0x3  }
0x38: {  	[tilespmem:s17+$0x50] =	vst v17  }
0x39: {  	v17 =	vld.idx.msk [tilespmem:v18+s19+$0x0], $0xffff  }
0x3a: {  	v18 =	vadd.s32 s18, v9;
	_ =	sdelay $0x3  }
0x3b: {  	[tilespmem:s17+$0x60] =	vst v17  }
0x3c: {  	s18 =	simm.s32 $0x1;
	v18 =	vld.idx.msk [tilespmem:v18+s19+$0x0], $0xffff  }
0x3d: {  	s20 =	simm.s32 $0x2;
	v17 =	vadd.s32 s18, v0  }
.LBB2_6:
0x3e: {  	p0 =	sne.s32 s20, $0x31;
	_ =	sdelay $0x2  }
0x3f: {  	[tilespmem:s17+$0x70] =	vst v18;
	[tilespmem:s12], [sflag:$0x1] =	stream.indirect.gather.add.f32 [hbm:s3], $0x40, s17, s11, $0xb8  }
0x40: {  	v17 =	vld.idx.msk [tilespmem:v17+s19+$0x0], $0xffff;
	_ =	sdelay $0x1  }
0x41: {  	v18 =	vadd.s32 s18, v2;
	_ =	sdelay $0x2  }
0x42: {  	s17 =	sadd.s32 $0x80, s17  }
0x43: {  	[tilespmem:s17+$0x0] =	vst v17  }
0x44: {  	v17 =	vld.idx.msk [tilespmem:v18+s19+$0x0], $0xffff;
	_ =	sdelay $0x1  }
0x45: {  	v18 =	vadd.s32 s18, v3;
	_ =	sdelay $0x3  }
0x46: {  	[tilespmem:s17+$0x10] =	vst v17  }
0x47: {  	v17 =	vld.idx.msk [tilespmem:v18+s19+$0x0], $0xffff;
	_ =	sdelay $0x1  }
0x48: {  	v18 =	vadd.s32 s18, v5;
	_ =	sdelay $0x3  }
0x49: {  	[tilespmem:s17+$0x20] =	vst v17  }
0x4a: {  	v17 =	vld.idx.msk [tilespmem:v18+s19+$0x0], $0xffff;
	_ =	sdelay $0x1  }
0x4b: {  	v18 =	vadd.s32 s18, v6;
	_ =	sdelay $0x3  }
0x4c: {  	[tilespmem:s17+$0x30] =	vst v17  }
0x4d: {  	v17 =	vld.idx.msk [tilespmem:v18+s19+$0x0], $0xffff;
	_ =	sdelay $0x1  }
0x4e: {  	v18 =	vadd.s32 s18, v7;
	_ =	sdelay $0x3  }
0x4f: {  	[tilespmem:s17+$0x40] =	vst v17  }
0x50: {  	v17 =	vld.idx.msk [tilespmem:v18+s19+$0x0], $0xffff;
	_ =	sdelay $0x1  }
0x51: {  	v18 =	vadd.s32 s18, v8;
	_ =	sdelay $0x3  }
0x52: {  	[tilespmem:s17+$0x50] =	vst v17  }
0x53: {  	v17 =	vld.idx.msk [tilespmem:v18+s19+$0x0], $0xffff;
	_ =	sdelay $0x1  }
0x54: {  	v18 =	vadd.s32 s18, v9;
	s18 =	smov.u32 s20;
	_ =	sdelay $0x2  }
.Ltmp2:
0x55: {  	(pc) =	sbr.rel @p0 .LBB2_6-.Ltmp2, $3  }
0x56: {  	[tilespmem:s17+$0x60] =	vst v17  }
0x57: {  	v18 =	vld.idx.msk [tilespmem:v18+s19+$0x0], $0xffff;
	_ =	sdelay $0x1  }
0x58: {  	s20 =	sadd.s32 $0x1, s20;
	v17 =	vadd.s32 s18, v0  }
0x59: {  	_ =	sdelay $0x1  }
0x5a: {  	s20 =	simm.s32 $0x0;
	[tilespmem:s17+$0x70] =	vst v18  }
0x5b: {  	[tilespmem:s12], [sflag:$0x1] =	stream.indirect.gather.add.f32 [hbm:s3], $0x40, s17, s11, $0xb8;
	[tilespmem:$0x13A00] =	vst v63  }
0x5c: {  	v17 =	vld.idx.msk [tilespmem:v17+s20+$0x0], $0xffff  }
0x5d: {  	v18 =	vadd.s32 s18, v2;
	_ =	sdelay $0x2  }
0x5e: {  	s31 =	sadd.s32 $0x80, s17  }
0x5f: {  	[tilespmem:s31+$0x0] =	vst v17  }
0x60: {  	v17 =	vld.idx.msk [tilespmem:v18+s20+$0x0], $0xffff  }
0x61: {  	v18 =	vadd.s32 s18, v3;
	_ =	sdelay $0x3  }
0x62: {  	[tilespmem:s31+$0x10] =	vst v17  }
0x63: {  	v17 =	vld.idx.msk [tilespmem:v18+s20+$0x0], $0xffff  }
0x64: {  	v18 =	vadd.s32 s18, v5;
	_ =	sdelay $0x3  }
0x65: {  	[tilespmem:s31+$0x20] =	vst v17  }
0x66: {  	v17 =	vld.idx.msk [tilespmem:v18+s20+$0x0], $0xffff  }
0x67: {  	v18 =	vadd.s32 s18, v6;
	_ =	sdelay $0x3  }
0x68: {  	[tilespmem:s31+$0x30] =	vst v17  }
0x69: {  	v17 =	vld.idx.msk [tilespmem:v18+s20+$0x0], $0xffff  }
0x6a: {  	v18 =	vadd.s32 s18, v7;
	_ =	sdelay $0x3  }
0x6b: {  	[tilespmem:s31+$0x40] =	vst v17  }
0x6c: {  	v17 =	vld.idx.msk [tilespmem:v18+s20+$0x0], $0xffff  }
0x6d: {  	v18 =	vadd.s32 s18, v8;
	_ =	sdelay $0x3  }
0x6e: {  	[tilespmem:s31+$0x50] =	vst v17  }
0x6f: {  	v17 =	vld.idx.msk [tilespmem:v18+s20+$0x0], $0xffff  }
0x70: {  	v18 =	vadd.s32 s18, v9;
	_ =	sdelay $0x3  }
0x71: {  	[tilespmem:s31+$0x60] =	vst v17  }
0x72: {  	v17 =	vld.idx.msk [tilespmem:v18+s20+$0x0], $0xffff  }
0x73: {  	p1 =	por $0x1, $0x1  }
.Ltmp3:
0x74: {  	_ = 	snop;
	(pc) =	sbr.rel @!p1 .LBB2_8-.Ltmp3, $3  }
0x75: {  	_ =	sdelay $0x1  }
0x76: {  	p0 =	por $0x0, $0x0;
	s17 =	simm.s32 $0x9600;
	s18 =	simm.s32 $0x1;
	[tilespmem:s31+$0x70] =	vst v17  }
0x77: {  	v17 =	vadd.s32 s20, v4;
	[tilespmem:s12], [sflag:$0x1] =	stream.indirect.gather.add.f32 [hbm:s3], $0x40, s31, s11, $0xb8;
	[tilespmem:$0x13A00] =	vst v63  }
0x78: {  	_ =	sdelay $0x3  }
0x79: {  	v17 =	vld.idx.msk [tilespmem:v17+s10+$0x0], $0xffff  }
0x7a: {  	v18 =	vadd.s32 s20, v10;
	_ =	sdelay $0x3  }
0x7b: {  	[tilespmem:s17+$0x0] =	vst v17  }
0x7c: {  	v17 =	vld.idx.msk [tilespmem:v18+s10+$0x0], $0xffff  }
0x7d: {  	v18 =	vadd.s32 s20, v11;
	_ =	sdelay $0x3  }
0x7e: {  	[tilespmem:s17+$0x10] =	vst v17  }
0x7f: {  	v17 =	vld.idx.msk [tilespmem:v18+s10+$0x0], $0xffff  }
0x80: {  	v18 =	vadd.s32 s20, v12;
	_ =	sdelay $0x3  }
0x81: {  	[tilespmem:s17+$0x20] =	vst v17  }
0x82: {  	v17 =	vld.idx.msk [tilespmem:v18+s10+$0x0], $0xffff  }
0x83: {  	v18 =	vadd.s32 s20, v13;
	_ =	sdelay $0x3  }
0x84: {  	[tilespmem:s17+$0x30] =	vst v17  }
0x85: {  	v17 =	vld.idx.msk [tilespmem:v18+s10+$0x0], $0xffff  }
0x86: {  	v18 =	vadd.s32 s20, v14;
	_ =	sdelay $0x3  }
0x87: {  	[tilespmem:s17+$0x40] =	vst v17  }
0x88: {  	v17 =	vld.idx.msk [tilespmem:v18+s10+$0x0], $0xffff  }
0x89: {  	v18 =	vadd.s32 s20, v15;
	_ =	sdelay $0x3  }
0x8a: {  	[tilespmem:s17+$0x50] =	vst v17  }
0x8b: {  	v17 =	vld.idx.msk [tilespmem:v18+s10+$0x0], $0xffff  }
0x8c: {  	v18 =	vadd.s32 s20, v16  }
0x8d: {  	p1 =	por $0x1, $0x1  }
.Ltmp4:
0x8e: {  	_ = 	snop;
	(pc) =	sbr.rel @!p1 .LBB2_10-.Ltmp4, $4  }
0x8f: {  	_ = 	snop  }
0x90: {  	[tilespmem:s17+$0x60] =	vst v17  }
0x91: {  	v18 =	vld.idx.msk [tilespmem:v18+s10+$0x0], $0xffff  }
0x92: {  	p0 =	por $0x1, $0x1;
	s19 =	simm.s32 $0x9600;
	s20 =	simm.s32 $0x2;
	v17 =	vadd.s32 s18, v4  }
.LBB2_11:
0x93: {  	p1 =	sne.s32 s20, $0xC7;
	_ =	sdelay $0x2  }
0x94: {  	[tilespmem:s19+$0x70] =	vst v18;
	[tilespmem:s13], [sflag:$0x2] =	stream.indirect.gather.add.f32 [hbm:s3], $0x40, s19, s11, $0xb8  }
0x95: {  	v17 =	vld.idx.msk [tilespmem:v17+s10+$0x0], $0xffff;
	_ =	sdelay $0x1  }
0x96: {  	v18 =	vadd.s32 s18, v10;
	_ =	sdelay $0x2  }
0x97: {  	s19 =	sadd.s32 $0x80, s19  }
0x98: {  	[tilespmem:s19+$0x0] =	vst v17  }
0x99: {  	v17 =	vld.idx.msk [tilespmem:v18+s10+$0x0], $0xffff;
	_ =	sdelay $0x1  }
0x9a: {  	v18 =	vadd.s32 s18, v11;
	_ =	sdelay $0x3  }
0x9b: {  	[tilespmem:s19+$0x10] =	vst v17  }
0x9c: {  	v17 =	vld.idx.msk [tilespmem:v18+s10+$0x0], $0xffff;
	_ =	sdelay $0x1  }
0x9d: {  	v18 =	vadd.s32 s18, v12;
	_ =	sdelay $0x3  }
0x9e: {  	[tilespmem:s19+$0x20] =	vst v17  }
0x9f: {  	v17 =	vld.idx.msk [tilespmem:v18+s10+$0x0], $0xffff;
	_ =	sdelay $0x1  }
0xa0: {  	v18 =	vadd.s32 s18, v13;
	_ =	sdelay $0x3  }
0xa1: {  	[tilespmem:s19+$0x30] =	vst v17  }
0xa2: {  	v17 =	vld.idx.msk [tilespmem:v18+s10+$0x0], $0xffff;
	_ =	sdelay $0x1  }
0xa3: {  	v18 =	vadd.s32 s18, v14;
	_ =	sdelay $0x3  }
0xa4: {  	[tilespmem:s19+$0x40] =	vst v17  }
0xa5: {  	v17 =	vld.idx.msk [tilespmem:v18+s10+$0x0], $0xffff;
	_ =	sdelay $0x1  }
0xa6: {  	v18 =	vadd.s32 s18, v15;
	_ =	sdelay $0x3  }
0xa7: {  	[tilespmem:s19+$0x50] =	vst v17  }
0xa8: {  	v17 =	vld.idx.msk [tilespmem:v18+s10+$0x0], $0xffff;
	_ =	sdelay $0x1  }
0xa9: {  	v18 =	vadd.s32 s18, v16;
	s18 =	smov.u32 s20;
	_ =	sdelay $0x2  }
.Ltmp5:
0xaa: {  	(pc) =	sbr.rel @p1 .LBB2_11-.Ltmp5, $3  }
0xab: {  	[tilespmem:s19+$0x60] =	vst v17  }
0xac: {  	v18 =	vld.idx.msk [tilespmem:v18+s10+$0x0], $0xffff;
	_ =	sdelay $0x1  }
0xad: {  	s20 =	sadd.s32 $0x1, s20;
	v17 =	vadd.s32 s18, v4  }
0xae: {  	s20 =	smov.u32 s18  }
.LBB2_13:
0xaf: {  	_ =	sdelay $0x1  }
0xb0: {  	[tilespmem:s19+$0x70] =	vst @p0 v18  }
0xb1: {  	[tilespmem:s13], [sflag:$0x2] =	stream.indirect.gather.add.f32 @p0 [hbm:s3], $0x40, s19, s11, $0xb8;
	[tilespmem:$0x13A00] =	vst v63  }
0xb2: {  	v17 =	vld.idx.msk [tilespmem:v17+s10+$0x0], $0xffff  }
0xb3: {  	v18 =	vadd.s32 s20, v10;
	_ =	sdelay $0x1  }
0xb4: {  	s18 =	sadd.s32 @p0 $0x80, s19  }
0xb5: {  	s17 =	smov.u32 @p0 s18  }
0xb6: {  	[tilespmem:s17+$0x0] =	vst v17  }
0xb7: {  	v17 =	vld.idx.msk [tilespmem:v18+s10+$0x0], $0xffff  }
0xb8: {  	v18 =	vadd.s32 s20, v11;
	_ =	sdelay $0x3  }
0xb9: {  	[tilespmem:s17+$0x10] =	vst v17  }
0xba: {  	v17 =	vld.idx.msk [tilespmem:v18+s10+$0x0], $0xffff  }
0xbb: {  	v18 =	vadd.s32 s20, v12;
	_ =	sdelay $0x3  }
0xbc: {  	[tilespmem:s17+$0x20] =	vst v17  }
0xbd: {  	v17 =	vld.idx.msk [tilespmem:v18+s10+$0x0], $0xffff  }
0xbe: {  	v18 =	vadd.s32 s20, v13;
	_ =	sdelay $0x3  }
0xbf: {  	[tilespmem:s17+$0x30] =	vst v17  }
0xc0: {  	v17 =	vld.idx.msk [tilespmem:v18+s10+$0x0], $0xffff  }
0xc1: {  	v18 =	vadd.s32 s20, v14;
	_ =	sdelay $0x3  }
0xc2: {  	[tilespmem:s17+$0x40] =	vst v17  }
0xc3: {  	v17 =	vld.idx.msk [tilespmem:v18+s10+$0x0], $0xffff  }
0xc4: {  	v18 =	vadd.s32 s20, v15;
	_ =	sdelay $0x3  }
0xc5: {  	[tilespmem:s17+$0x50] =	vst v17  }
0xc6: {  	v17 =	vld.idx.msk [tilespmem:v18+s10+$0x0], $0xffff  }
0xc7: {  	v18 =	vadd.s32 s20, v16;
	_ =	sdelay $0x3  }
0xc8: {  	[tilespmem:s17+$0x60] =	vst v17  }
0xc9: {  	v17 =	vld.idx.msk [tilespmem:v18+s10+$0x0], $0xffff;
	_ =	sdelay $0x4  }
0xca: {  	[tilespmem:s17+$0x70] =	vst v17  }
0xcb: {  	[tilespmem:s13], [sflag:$0x2] =	stream.indirect.gather.add.f32 [hbm:s3], $0x40, s17, s11, $0xb8;
	[tilespmem:$0x13A00] =	vst v63  }
0xcc: {  	s17 =	simm.s32 $0x32  }
.LBB2_14:
0xcd: {  	p0 =	sne.s32 s17, $0x1  }
.Ltmp6:
0xce: {  	_ = 	snop;
	(pc) =	sbr.rel @p0 .LBB2_14-.Ltmp6, $4  }
0xcf: {  	_ = 	snop  }
0xd0: {  	_ =	swait.ge [sflag:s14], $0x2000  }
0xd1: {  	[sflag:s14] =	ssyncset.done $0x0  }
0xd2: {  	s17 =	sadd.s32 $0xFFFFFFFF, s17;
	[sflag:s14] =	ssyncadd.s32 $0xFFFFE000  }
0xd3: {  	_ =	swait.ge [sflag:s15], $0x2000  }
0xd4: {  	s17 =	simm.s32 $0xC7;
	[sflag:s15] =	ssyncset.done $0x0  }
.LBB2_16:
0xd5: {  	p0 =	sne.s32 s17, $0x1;
	s17 =	sadd.s32 $0xFFFFFFFF, s17;
	[sflag:s15] =	ssyncadd.s32 $0xFFFFE000  }
.Ltmp7:
0xd6: {  	(pc) =	sbr.rel @p0 .LBB2_16-.Ltmp7, $3  }
0xd7: {  	_ =	sdelay $0x1  }
0xd8: {  	_ =	swait.ge [sflag:s15], $0x2000  }
0xd9: {  	[sflag:s15] =	ssyncset.done $0x0  }
0xda: {  	[sflag:s15] =	ssyncadd.s32 $0xFFFFE000  }
0xdb: {  	[hbm4b:s6+s2] =	stream.linear.scatter [tilespmem:s12], [sflag:$0x3], $0x2000, $0x38;
	[tilespmem:$0x13A00] =	vst v63  }
0xdc: {  	_ =	swait.ge [sflag:s9], $0x2000  }
0xdd: {  	s16 =	sadd.s32 $0x1, s16;
	[sflag:s9] =	ssyncset.done $0x0  }
0xde: {  	p0 =	sne.s32 s16, s8;
	[sflag:s9] =	ssyncadd.s32 $0xFFFFE000  }
0xdf: {  	[hbm4b:s7+s2] =	stream.linear.scatter [tilespmem:s13], [sflag:$0x3], $0x2000, $0x38;
	[tilespmem:$0x13A00] =	vst v63  }
.Ltmp8:
0xe0: {  	_ = 	snop;
	(pc) =	sbr.rel @p0 .LBB2_1-.Ltmp8, $4  }
.Ltmp9:
0xe1: {  	_ = 	snop;
	(pc) =	sbr.rel @!p0 .LBB2_18-.Ltmp9, $4  }
0xe2: {  	_ =	swait.ge [sflag:s9], $0x2000  }
0xe3: {  	[sflag:s9] =	ssyncset.done $0x0  }
0xe4: {  	[sflag:s9] =	ssyncadd.s32 $0xFFFFE000  }
0xe5: {  	_ = 	snop  }
.LBB2_8:
.Ltmp10:
0xe6: {  	(pc) =	sbr.rel .LBB2_13-.Ltmp10, $2  }
0xe7: {  	_ =	sdelay $0x2  }
0xe8: {  	s19 =	simm.s32 $0x9600  }
.LBB2_10:
.Ltmp11:
0xe9: {  	(pc) =	sbr.rel .LBB2_13-.Ltmp11, $2  }
0xea: {  	_ =	sdelay $0x2  }
0xeb: {  	s19 =	simm.s32 $0x9600;
	s20 =	simm.s32 $0x1  }
.LBB2_18:
0xec: {  	_ =	sfence.sel $0x180000  }
0xed: {  	[bflag:$0x0] =	sbarrier.arrive $0xFFFF  }
0xee: {  	p0 =	sne.s32 s0, $0x0;
	_ =	strace $0x90000047  }
0xef: {  	s0 =	sadd.s32 @!p0 $0x100000, s1;
	[bflag:$0x2] =	sbarrier.arrive $0xFFFF  }
0xf0: {  	[sflag:s0] =	ssyncadd.tile.s32 @!p0 $0x1;
	_ =	shalt  }
.Lfunc_end2:
_tile_overlayer_lowered:
.L_overlay_start_2:
0xf1: {  	(tag) =	ssettag $0x2  }
0xf2: {  	s0 =	rddreg [dreg:$0x0];
	s2 =	stileid.u32  }
0xf3: {  	s1 =	rddreg [dreg:$0x1];
	p0 =	sne.s32 s2, $0x0  }
0xf4: {  	s3 =	rddreg [dreg:$0x2];
	[bflag:$0x3] =	sbarrier.arrive $0xFFFF;
	s2 =	simm.s32 @!p0 $0x1C03  }
0xf5: {  	[timem:s3], [sflag:s2] =	dma.local @!p0 [hbm:s0], s1  }
0xf6: {  	s0 =	simm.s32 @!p0 $0x3  }
0xf7: {  	_ =	swait.ge @!p0 [sflag:s0], s1  }
0xf8: {  	s1 =	ssub.s32 @!p0 $0x0, s1;
	[sflag:s0] =	ssyncset.done @!p0 $0x0  }
0xf9: {  	[sflag:s0] =	ssyncadd.s32 @!p0 s1  }
0xfa: {  	[bflag:$0x3] =	sbarrier.arrive $0xFFFF  }
0xfb: {  	_ =	shalt  }

</sc_bundles>
